<compile_context>
chip_gen: v7x
topology: tpu7x:2x2x1
jax: 0.10.2.dev20260603
libtpu: 0.0.44.dev20260713+nightly
codegen_flags: <defaults>
</compile_context>

<pallas_src>
import functools

import jax
import jax.numpy as jnp
from jax import lax
from jax.experimental import pallas as pl
from jax.experimental.pallas import tpu as pltpu
from jax.experimental.pallas import tpu_sc as plsc

Q = 4096
K = 100000
D = 512
NN = 64
RB = 1024
KT = 1024
CH = 128
KP = ((K + KT - 1) // KT) * KT
NC = KP // CH
CPT = KT // CH
B = 128
NCH = 80
NW = 32
RPW = Q // NW
RB2 = 256


def _mm_body(x_ref, kb_ref, scores_ref, m_ref):
    j = pl.program_id(1)
    s = lax.dot_general(
        x_ref[...], kb_ref[...],
        dimension_numbers=(((1,), (1,)), ((), ())),
        preferred_element_type=jnp.float32)
    col = j * KT + lax.broadcasted_iota(jnp.int32, (RB, KT), 1)
    s = jnp.where(col < K, s, -jnp.inf)
    scores_ref[...] = s
    m_ref[...] = jnp.max(s.reshape(RB, CPT, CH), axis=-1)[None]


def _tau_body(m_ref, tau_ref):
    def body(t, w):
        mx = jnp.max(w, axis=1, keepdims=True)
        return jnp.where(w == mx, -jnp.inf, w)

    w = lax.fori_loop(0, NN - 1, body, m_ref[...])
    tau_ref[...] = jnp.max(w, axis=1, keepdims=True)


_mesh = plsc.VectorSubcoreMesh(core_axis_name="c", subcore_axis_name="s")


@functools.partial(
    pl.kernel,
    out_type=[jax.ShapeDtypeStruct((Q, B), jnp.float32),
              jax.ShapeDtypeStruct((Q, B), jnp.int32)],
    mesh=_mesh,
    scratch_types=[
        pltpu.VMEM((RPW + 16,), jnp.float32),
        pltpu.VMEM((NC,), jnp.float32),
        pltpu.VMEM((NCH + 16,), jnp.int32),
        pltpu.VMEM((NCH, CH), jnp.float32),
        pltpu.VMEM((B,), jnp.float32),
        pltpu.VMEM((B,), jnp.int32),
        pltpu.VMEM((16,), jnp.float32),
        pltpu.VMEM((16,), jnp.int32),
        pltpu.VMEM((16,), jnp.int32),
        pltpu.SemaphoreType.DMA,
    ],
    compiler_params=pltpu.CompilerParams(needs_layout_passes=False),
)
def _sc_filter(scores_hbm, m_hbm, tau_hbm, vals_hbm, idx_hbm,
               tau_v, m_v, lid_v, gath_v, cv_v, ci_v,
               tau_s, off_s, cid_s, sem):
    wid = lax.axis_index("s") * _mesh.num_cores + lax.axis_index("c")
    r0 = wid * RPW
    pltpu.sync_copy(tau_hbm.at[pl.ds(r0, RPW)], tau_v.at[pl.ds(0, RPW)])

    zeros16i = jnp.zeros((16,), jnp.int32)
    iota16 = lax.iota(jnp.int32, 16)
    neg16 = jnp.full((16,), -jnp.inf, jnp.float32)
    padchunk16 = jnp.full((16,), (K // CH) + 1, jnp.int32)

    fifteen16 = jnp.full((16,), 15, jnp.int32)
    one16 = jnp.full((16,), 1, jnp.int32)

    _gd = lax.GatherDimensionNumbers(
        offset_dims=(), collapsed_slice_dims=(0,), start_index_map=(0,))

    def _bcast(vec, idx16):
        return lax.gather(vec, idx16[:, None], _gd, (1,),
                          mode=lax.GatherScatterMode.PROMISE_IN_BOUNDS)

    def lane0(vec):
        return _bcast(vec, zeros16i)

    def lanelast(vec):
        return _bcast(vec, fifteen16)

    def row_body(rr, _):
        r = r0 + rr
        pltpu.sync_copy(m_hbm.at[r], m_v)
        tau_s[...] = lane0(tau_v[pl.ds(rr, 16)])

        def reset_body(v, _):
            lid_v[pl.ds(v * 16, 16)] = padchunk16
            return 0

        lax.fori_loop(0, NCH // 16, reset_body, 0)

        off_s[...] = zeros16i
        cid_s[...] = iota16

        def scan_body(v, _):
            mv = m_v[pl.ds(v * 16, 16)]
            msk = mv >= tau_s[...]
            cs = plsc.cumsum(jnp.where(msk, one16, zeros16i))
            off_v = off_s[...]
            pos = jnp.minimum(off_v + cs - 1, NCH - 1)
            plsc.store_scatter(lid_v, [pos], cid_s[...], mask=msk)
            off_s[...] = off_v + lanelast(cs)
            cid_s[...] = cid_s[...] + 16
            return 0

        lax.fori_loop(0, NC // 16, scan_body, 0)

        pltpu.async_copy(
            scores_hbm.at[r].at[lid_v.at[pl.ds(0, NCH)]], gath_v, sem).wait()

        def cinit(v, _):
            cv_v[pl.ds(v * 16, 16)] = neg16
            ci_v[pl.ds(v * 16, 16)] = zeros16i
            return 0

        lax.fori_loop(0, B // 16, cinit, 0)

        off_s[...] = zeros16i

        def ext_body(k, _):
            lid16 = lane0(lid_v[pl.ds(k, 16)])
            for l in range(CH // 16):
                vv = gath_v[k, pl.ds(l * 16, 16)]
                msk = vv >= tau_s[...]
                cs = plsc.cumsum(jnp.where(msk, one16, zeros16i))
                off_v = off_s[...]
                pos = jnp.minimum(off_v + cs - 1, B - 1)
                gidx = lid16 * CH + (l * 16) + iota16
                plsc.store_scatter(cv_v, [pos], vv, mask=msk)
                plsc.store_scatter(ci_v, [pos], gidx, mask=msk)
                off_s[...] = off_v + lanelast(cs)
            return 0

        lax.fori_loop(0, NCH, ext_body, 0)

        pltpu.sync_copy(cv_v, vals_hbm.at[r])
        pltpu.sync_copy(ci_v, idx_hbm.at[r])
        return 0

    lax.fori_loop(0, RPW, row_body, 0)


def _topk_body(v_ref, i_ref, o_ref):
    v = v_ref[...]
    ind = i_ref[...]
    lane = lax.broadcasted_iota(jnp.int32, (RB2, NN), 1)
    BIG = jnp.int32(2**30)

    def body(t, carry):
        v, out = carry
        mx = jnp.max(v, axis=1, keepdims=True)
        cand = jnp.where(v == mx, ind, BIG)
        imin = jnp.min(cand, axis=1, keepdims=True)
        out = jnp.where(lane == t, imin, out)
        v = jnp.where((v == mx) & (ind == imin), -jnp.inf, v)
        return v, out

    _, out = lax.fori_loop(0, NN, body, (v, jnp.zeros((RB2, NN), jnp.int32)))
    o_ref[...] = out


@jax.jit
def kernel(x, kb_embs):
    kbp = jnp.pad(kb_embs, ((0, KP - K), (0, 0)))
    scores, m3 = pl.pallas_call(
        _mm_body,
        grid=(Q // RB, KP // KT),
        in_specs=[
            pl.BlockSpec((RB, D), lambda i, j: (i, 0)),
            pl.BlockSpec((KT, D), lambda i, j: (j, 0)),
        ],
        out_specs=[
            pl.BlockSpec((RB, KT), lambda i, j: (i, j)),
            pl.BlockSpec((1, RB, CPT), lambda i, j: (j, i, 0)),
        ],
        out_shape=[
            jax.ShapeDtypeStruct((Q, KP), jnp.float32),
            jax.ShapeDtypeStruct((KP // KT, Q, CPT), jnp.float32),
        ],
    )(x, kbp)

    m = m3.transpose(1, 0, 2).reshape(Q, NC)
    tau = pl.pallas_call(
        _tau_body,
        grid=(Q // RB2,),
        in_specs=[pl.BlockSpec((RB2, NC), lambda i: (i, 0))],
        out_specs=pl.BlockSpec((RB2, 1), lambda i: (i, 0)),
        out_shape=jax.ShapeDtypeStruct((Q, 1), jnp.float32),
    )(m)

    cv, ci = _sc_filter(scores.reshape(Q, NC, CH), m, tau.reshape(Q))

    return pl.pallas_call(
        _topk_body,
        grid=(Q // RB2,),
        in_specs=[
            pl.BlockSpec((RB2, B), lambda i: (i, 0)),
            pl.BlockSpec((RB2, B), lambda i: (i, 0)),
        ],
        out_specs=pl.BlockSpec((RB2, NN), lambda i: (i, 0)),
        out_shape=jax.ShapeDtypeStruct((Q, NN), jnp.int32),
    )(cv, ci)

# --- scband reference (transcript-rebuilt; emitter-appended) ---
"""Pipeline reference for scband-wrapped-searcher-33294586479019 (READ-ONLY COPY).

The authoritative reference and input builder live on the scoring server;
editing this copy changes nothing except your own understanding.
"""

import jax, jax.numpy as jnp
import numpy as np

NUM_NEIGHBORS = 64

def setup_inputs(seed: int = 0) -> dict:
    key = jax.random.key(seed)
    k1, k2 = jax.random.split(key)
    x = jax.random.normal(k1, (4096, 512), dtype=jnp.float32)
    kb_embs = jax.random.normal(k2, (100000, 512), dtype=jnp.float32)
    return {"x": x, "kb_embs": kb_embs}

def reference(x, kb_embs):
    # F.linear(x, kb_embs) == x @ kb_embs.T -> [Q, K]
    dot_product = jnp.dot(x, kb_embs.T)
    _, top_indices = jax.lax.top_k(dot_product, NUM_NEIGHBORS)
    return top_indices

if __name__ == "__main__":
    import jax
    _d = setup_inputs()
    print(jax.jit(kernel)(*tuple(_d.values())))

</pallas_src>

<mosaic_0001>
#map = affine_map<(d0, d1) -> (0, 0, 0)>
#map1 = affine_map<(d0, d1) -> (0, 0)>
#map2 = affine_map<(d0, d1) -> (0)>
module attributes {stable_mosaic.version = 14 : i64} {
  func.func @_sc_filter(%arg0: i32, %arg1: i32, %arg2: memref<4096x784x128xf32, #tpu.memory_space<hbm>>, %arg3: memref<4096x784xf32, #tpu.memory_space<hbm>>, %arg4: memref<4096xf32, #tpu.memory_space<hbm>>, %arg5: memref<4096x128xf32, #tpu.memory_space<hbm>>, %arg6: memref<4096x128xi32, #tpu.memory_space<hbm>>, %arg7: memref<144xf32, #tpu.memory_space<vmem>>, %arg8: memref<784xf32, #tpu.memory_space<vmem>>, %arg9: memref<96xi32, #tpu.memory_space<vmem>>, %arg10: memref<80x128xf32, #tpu.memory_space<vmem>>, %arg11: memref<128xf32, #tpu.memory_space<vmem>>, %arg12: memref<128xi32, #tpu.memory_space<vmem>>, %arg13: memref<16xf32, #tpu.memory_space<vmem>>, %arg14: memref<16xi32, #tpu.memory_space<vmem>>, %arg15: memref<16xi32, #tpu.memory_space<vmem>>, %arg16: memref<!tpu.dma_semaphore, #tpu.memory_space<semaphore_mem>>) attributes {dimension_semantics = [#tpu.dimension_semantics<core_parallel>, #tpu.dimension_semantics<subcore_parallel>], iteration_bounds = array<i64: 2, 16>, scalar_prefetch = 0 : i64, scratch_operands = 10 : i64, tpu.core_type = #tpu.core_type<sc_vector_subcore>, window_params = [{transform_indices = #map}, {transform_indices = #map1}, {transform_indices = #map2}, {transform_indices = #map1}, {transform_indices = #map1}]} {
    %mul3A = arith.constant 2 : i32
    %mul3A_0 = arith.muli %arg1, %mul3A : i32
    %add3A = arith.addi %mul3A_0, %arg0 : i32
    %mul3A_1 = arith.constant 128 : i32
    %mul3A_2 = arith.muli %add3A, %mul3A_1 : i32
    "tpu.region"() ({
      %run_scoped3A = tpu.sem_alloc : memref<!tpu.dma_semaphore, #tpu.memory_space<semaphore_mem>>
      %dma_start3A = arith.constant 0 : i32
      %dma_start3A_18 = tpu.memref_slice %arg7[%dma_start3A] : memref<144xf32, #tpu.memory_space<vmem>> -> memref<128xf32, #tpu.memory_space<vmem>>
      %dma_start3A_19 = tpu.memref_slice %arg4[%mul3A_2] : memref<4096xf32, #tpu.memory_space<hbm>> -> memref<128xf32, #tpu.memory_space<hbm>>
      %dma_start3A_20 = arith.constant 0 : i32
      %dma_start3A_21 = tpu.memref_slice %arg7[%dma_start3A_20] : memref<144xf32, #tpu.memory_space<vmem>> -> memref<128xf32, #tpu.memory_space<vmem>>
      %dma_start3A_22 = tpu.memref_slice %arg4[%mul3A_2] : memref<4096xf32, #tpu.memory_space<hbm>> -> memref<128xf32, #tpu.memory_space<hbm>>
      tpu.enqueue_dma source(%dma_start3A_22 : memref<128xf32, #tpu.memory_space<hbm>>) target(%dma_start3A_21 : memref<128xf32, #tpu.memory_space<vmem>>) target_semaphore(%run_scoped3A : memref<!tpu.dma_semaphore, #tpu.memory_space<semaphore_mem>>)
      %dma_wait3A = arith.constant 0 : i32
      %dma_wait3A_23 = tpu.memref_slice %arg7[%dma_wait3A] : memref<144xf32, #tpu.memory_space<vmem>> -> memref<128xf32, #tpu.memory_space<vmem>>
      %dma_wait3A_24 = tpu.memref_slice %arg4[%mul3A_2] : memref<4096xf32, #tpu.memory_space<hbm>> -> memref<128xf32, #tpu.memory_space<hbm>>
      %dma_wait3A_25 = arith.constant 0 : i32
      %dma_wait3A_26 = tpu.memref_slice %arg7[%dma_wait3A_25] : memref<144xf32, #tpu.memory_space<vmem>> -> memref<128xf32, #tpu.memory_space<vmem>>
      %dma_wait3A_27 = tpu.memref_slice %arg4[%mul3A_2] : memref<4096xf32, #tpu.memory_space<hbm>> -> memref<128xf32, #tpu.memory_space<hbm>>
      tpu.wait_dma2 semaphore(%run_scoped3A : memref<!tpu.dma_semaphore, #tpu.memory_space<semaphore_mem>>) src(%dma_wait3A_27 : memref<128xf32, #tpu.memory_space<hbm>>) dst(%dma_wait3A_26 : memref<128xf32, #tpu.memory_space<vmem>>)
      tpu.yield
    }) : () -> ()
    %broadcast_in_dim3A = arith.constant 0 : i32
    %broadcast_in_dim3A_3 = vector.broadcast %broadcast_in_dim3A : i32 to vector<16xi32>
    %iota3A = tpu.iota {dimensions = array<i32: 0>} : vector<16xi32>
    %broadcast_in_dim3A_4 = arith.constant 0xFF800000 : f32
    %broadcast_in_dim3A_5 = vector.broadcast %broadcast_in_dim3A_4 : f32 to vector<16xf32>
    %broadcast_in_dim3A_6 = arith.constant 782 : i32
    %broadcast_in_dim3A_7 = vector.broadcast %broadcast_in_dim3A_6 : i32 to vector<16xi32>
    %broadcast_in_dim3A_8 = arith.constant 15 : i32
    %broadcast_in_dim3A_9 = vector.broadcast %broadcast_in_dim3A_8 : i32 to vector<16xi32>
    %broadcast_in_dim3A_10 = arith.constant 1 : i32
    %broadcast_in_dim3A_11 = vector.broadcast %broadcast_in_dim3A_10 : i32 to vector<16xi32>
    %scan3A = arith.constant 0 : i32
    %scan3A_12 = arith.constant 0 : i32
    %scan3A_13 = arith.constant 128 : i32
    %scan3A_14 = arith.addi %scan3A_12, %scan3A_13 : i32
    %scan3A_15 = arith.constant 1 : i32
    %scan3A_16 = scf.for %scan3A_18 = %scan3A_12 to %scan3A_14 step %scan3A_15 iter_args(%scan3A_19 = %scan3A) -> (i32)  : i32 {
      %add3A_20 = arith.addi %mul3A_2, %scan3A_18 : i32
      "tpu.region"() ({
        %run_scoped3A = tpu.sem_alloc : memref<!tpu.dma_semaphore, #tpu.memory_space<semaphore_mem>>
        %dma_start3A_76 = arith.constant 0 : i32
        %dma_start3A_77 = tpu.memref_slice %arg3[%add3A_20, %dma_start3A_76] : memref<4096x784xf32, #tpu.memory_space<hbm>> -> memref<1x784xf32, #tpu.memory_space<hbm>>
        %dma_start3A_78 = tpu.memref_squeeze %dma_start3A_77 : memref<1x784xf32, #tpu.memory_space<hbm>> -> memref<784xf32, #tpu.memory_space<hbm>>
        %dma_start3A_79 = arith.constant 0 : i32
        %dma_start3A_80 = tpu.memref_slice %arg3[%add3A_20, %dma_start3A_79] : memref<4096x784xf32, #tpu.memory_space<hbm>> -> memref<1x784xf32, #tpu.memory_space<hbm>>
        %dma_start3A_81 = tpu.memref_squeeze %dma_start3A_80 : memref<1x784xf32, #tpu.memory_space<hbm>> -> memref<784xf32, #tpu.memory_space<hbm>>
        tpu.enqueue_dma source(%dma_start3A_81 : memref<784xf32, #tpu.memory_space<hbm>>) target(%arg8 : memref<784xf32, #tpu.memory_space<vmem>>) target_semaphore(%run_scoped3A : memref<!tpu.dma_semaphore, #tpu.memory_space<semaphore_mem>>)
        %dma_wait3A_82 = arith.constant 0 : i32
        %dma_wait3A_83 = tpu.memref_slice %arg3[%add3A_20, %dma_wait3A_82] : memref<4096x784xf32, #tpu.memory_space<hbm>> -> memref<1x784xf32, #tpu.memory_space<hbm>>
        %dma_wait3A_84 = tpu.memref_squeeze %dma_wait3A_83 : memref<1x784xf32, #tpu.memory_space<hbm>> -> memref<784xf32, #tpu.memory_space<hbm>>
        %dma_wait3A_85 = arith.constant 0 : i32
        %dma_wait3A_86 = tpu.memref_slice %arg3[%add3A_20, %dma_wait3A_85] : memref<4096x784xf32, #tpu.memory_space<hbm>> -> memref<1x784xf32, #tpu.memory_space<hbm>>
        %dma_wait3A_87 = tpu.memref_squeeze %dma_wait3A_86 : memref<1x784xf32, #tpu.memory_space<hbm>> -> memref<784xf32, #tpu.memory_space<hbm>>
        tpu.wait_dma2 semaphore(%run_scoped3A : memref<!tpu.dma_semaphore, #tpu.memory_space<semaphore_mem>>) src(%dma_wait3A_87 : memref<784xf32, #tpu.memory_space<hbm>>) dst(%arg8 : memref<784xf32, #tpu.memory_space<vmem>>)
        tpu.yield
      }) : () -> ()
      %get3A = arith.index_cast %scan3A_18 : i32 to index
      %get3A_21 = tpu.vector_load %arg7[%get3A] {strides = array<i32>} : memref<144xf32, #tpu.memory_space<vmem>>, vector<16xf32>,
      %broadcast_in_dim3A_22 = vector.shape_cast %broadcast_in_dim3A_3 : vector<16xi32> to vector<16x1xi32>
      %gather3A = vector.shape_cast %broadcast_in_dim3A_22 : vector<16x1xi32> to vector<16xi32>
      %gather3A_23 = tpu.dynamic_gather %get3A_21[%gather3A] in [0] : vector<16xf32>, vector<16xi32> -> vector<16xf32>
      %swap3A = arith.constant 0 : index
      %swap3A_24 = tpu.vector_load %arg13[%swap3A] {strides = array<i32>} : memref<16xf32, #tpu.memory_space<vmem>>, vector<16xf32>,
      tpu.vector_store %arg13[%swap3A], %gather3A_23 {strides = array<i32>} : memref<16xf32, #tpu.memory_space<vmem>>, vector<16xf32>,
      %scan3A_25 = arith.constant 0 : i32
      %scan3A_26 = arith.constant 0 : i32
      %scan3A_27 = arith.constant 5 : i32
      %scan3A_28 = arith.addi %scan3A_26, %scan3A_27 : i32
      %scan3A_29 = arith.constant 1 : i32
      %scan3A_30 = scf.for %scan3A_76 = %scan3A_26 to %scan3A_28 step %scan3A_29 iter_args(%scan3A_77 = %scan3A_25) -> (i32)  : i32 {
        %mul3A_78 = arith.constant 16 : i32
        %mul3A_79 = arith.muli %scan3A_76, %mul3A_78 : i32
        %swap3A_80 = arith.index_cast %mul3A_79 : i32 to index
        %swap3A_81 = tpu.vector_load %arg9[%swap3A_80] {strides = array<i32>} : memref<96xi32, #tpu.memory_space<vmem>>, vector<16xi32>,
        tpu.vector_store %arg9[%swap3A_80], %broadcast_in_dim3A_7 {strides = array<i32>} : memref<96xi32, #tpu.memory_space<vmem>>, vector<16xi32>,
        %scan3A_82 = arith.constant 0 : i32
        scf.yield %scan3A_82 : i32
      }
      %scan3A_31 = arith.constant 5 : i32
      %swap3A_32 = arith.constant 0 : index
      %swap3A_33 = tpu.vector_load %arg14[%swap3A_32] {strides = array<i32>} : memref<16xi32, #tpu.memory_space<vmem>>, vector<16xi32>,
      tpu.vector_store %arg14[%swap3A_32], %broadcast_in_dim3A_3 {strides = array<i32>} : memref<16xi32, #tpu.memory_space<vmem>>, vector<16xi32>,
      %swap3A_34 = arith.constant 0 : index
      %swap3A_35 = tpu.vector_load %arg15[%swap3A_34] {strides = array<i32>} : memref<16xi32, #tpu.memory_space<vmem>>, vector<16xi32>,
      tpu.vector_store %arg15[%swap3A_34], %iota3A {strides = array<i32>} : memref<16xi32, #tpu.memory_space<vmem>>, vector<16xi32>,
      %scan3A_36 = arith.constant 0 : i32
      %scan3A_37 = arith.constant 0 : i32
      %scan3A_38 = arith.constant 49 : i32
      %scan3A_39 = arith.addi %scan3A_37, %scan3A_38 : i32
      %scan3A_40 = arith.constant 1 : i32
      %scan3A_41 = scf.for %scan3A_76 = %scan3A_37 to %scan3A_39 step %scan3A_40 iter_args(%scan3A_77 = %scan3A_36) -> (i32)  : i32 {
        %mul3A_78 = arith.constant 16 : i32
        %mul3A_79 = arith.muli %scan3A_76, %mul3A_78 : i32
        %get3A_80 = arith.index_cast %mul3A_79 : i32 to index
        %get3A_81 = tpu.vector_load %arg8[%get3A_80] {strides = array<i32>} : memref<784xf32, #tpu.memory_space<vmem>>, vector<16xf32>,
        %get3A_82 = arith.constant 0 : index
        %get3A_83 = tpu.vector_load %arg13[%get3A_82] {strides = array<i32>} : memref<16xf32, #tpu.memory_space<vmem>>, vector<16xf32>,
        %ge3A = arith.cmpf oge, %get3A_81, %get3A_83 : vector<16xf32>
        %select_n3A = arith.select %ge3A, %broadcast_in_dim3A_11, %broadcast_in_dim3A_3 : vector<16xi1>, vector<16xi32>
        %broadcast_in_dim3A_84 = arith.constant true
        %broadcast_in_dim3A_85 = vector.broadcast %broadcast_in_dim3A_84 : i1 to vector<16xi1>
        %masked_cumsum3A = tpu.scan <sum>, %select_n3A masked %broadcast_in_dim3A_85 : vector<16xi32>, vector<16xi1> -> vector<16xi32>
        %get3A_86 = arith.constant 0 : index
        %get3A_87 = tpu.vector_load %arg14[%get3A_86] {strides = array<i32>} : memref<16xi32, #tpu.memory_space<vmem>>, vector<16xi32>,
        %add3A_88 = arith.addi %get3A_87, %masked_cumsum3A : vector<16xi32>
        %sub3A = arith.constant 1 : i32
        %sub3A_89 = vector.broadcast %sub3A : i32 to vector<16xi32>
        %sub3A_90 = arith.subi %add3A_88, %sub3A_89 : vector<16xi32>
        %min3A = arith.constant 79 : i32
        %min3A_91 = vector.broadcast %min3A : i32 to vector<16xi32>
        %min3A_92 = arith.minsi %sub3A_90, %min3A_91 : vector<16xi32>
        %get3A_93 = arith.constant 0 : index
        %get3A_94 = tpu.vector_load %arg15[%get3A_93] {strides = array<i32>} : memref<16xi32, #tpu.memory_space<vmem>>, vector<16xi32>,
        tpu.vector_store_idx %arg9[%min3A_92], %get3A_94 masked %ge3A : memref<96xi32, #tpu.memory_space<vmem>>[vector<16xi32>], vector<16xi32>, vector<16xi1>
        %broadcast_in_dim3A_95 = vector.shape_cast %broadcast_in_dim3A_9 : vector<16xi32> to vector<16x1xi32>
        %gather3A_96 = vector.shape_cast %broadcast_in_dim3A_95 : vector<16x1xi32> to vector<16xi32>
        %gather3A_97 = tpu.dynamic_gather %masked_cumsum3A[%gather3A_96] in [0] : vector<16xi32>, vector<16xi32> -> vector<16xi32>
        %add3A_98 = arith.addi %get3A_87, %gather3A_97 : vector<16xi32>
        %swap3A_99 = arith.constant 0 : index
        %swap3A_100 = tpu.vector_load %arg14[%swap3A_99] {strides = array<i32>} : memref<16xi32, #tpu.memory_space<vmem>>, vector<16xi32>,
        tpu.vector_store %arg14[%swap3A_99], %add3A_98 {strides = array<i32>} : memref<16xi32, #tpu.memory_space<vmem>>, vector<16xi32>,
        %get3A_101 = arith.constant 0 : index
        %get3A_102 = tpu.vector_load %arg15[%get3A_101] {strides = array<i32>} : memref<16xi32, #tpu.memory_space<vmem>>, vector<16xi32>,
        %add3A_103 = arith.constant 16 : i32
        %add3A_104 = vector.broadcast %add3A_103 : i32 to vector<16xi32>
        %add3A_105 = arith.addi %get3A_102, %add3A_104 : vector<16xi32>
        %swap3A_106 = arith.constant 0 : index
        %swap3A_107 = tpu.vector_load %arg15[%swap3A_106] {strides = array<i32>} : memref<16xi32, #tpu.memory_space<vmem>>, vector<16xi32>,
        tpu.vector_store %arg15[%swap3A_106], %add3A_105 {strides = array<i32>} : memref<16xi32, #tpu.memory_space<vmem>>, vector<16xi32>,
        %scan3A_108 = arith.constant 0 : i32
        scf.yield %scan3A_108 : i32
      }
      %scan3A_42 = arith.constant 49 : i32
      %dma_start3A = arith.constant 0 : i32
      %dma_start3A_43 = tpu.memref_slice %arg9[%dma_start3A] : memref<96xi32, #tpu.memory_space<vmem>> -> memref<80xi32, #tpu.memory_space<vmem>>
      %dma_start3A_44 = arith.constant 0 : i32
      %dma_start3A_45 = arith.constant 0 : i32
      %dma_start3A_46 = tpu.memref_slice %arg2[%add3A_20, %dma_start3A_44, %dma_start3A_45] : memref<4096x784x128xf32, #tpu.memory_space<hbm>> -> memref<1x784x128xf32, #tpu.memory_space<hbm>>
      %dma_start3A_47 = tpu.memref_squeeze %dma_start3A_46 : memref<1x784x128xf32, #tpu.memory_space<hbm>> -> memref<784x128xf32, #tpu.memory_space<hbm>>
      %dma_start3A_48 = arith.constant 0 : i32
      %dma_start3A_49 = arith.constant 0 : i32
      %dma_start3A_50 = tpu.memref_slice %dma_start3A_47[%dma_start3A_48, %dma_start3A_49] : memref<784x128xf32, #tpu.memory_space<hbm>> -> memref<784x128xf32, #tpu.memory_space<hbm>>
      tpu.enqueue_indirect_dma source(%dma_start3A_50 : memref<784x128xf32, #tpu.memory_space<hbm>>) target(%arg10 : memref<80x128xf32, #tpu.memory_space<vmem>>) offsets(%dma_start3A_43 : memref<80xi32, #tpu.memory_space<vmem>>) semaphore(%arg16 : memref<!tpu.dma_semaphore, #tpu.memory_space<semaphore_mem>>)
      %dma_wait3A = arith.constant 0 : i32
      %dma_wait3A_51 = tpu.memref_slice %arg9[%dma_wait3A] : memref<96xi32, #tpu.memory_space<vmem>> -> memref<80xi32, #tpu.memory_space<vmem>>
      %dma_wait3A_52 = arith.constant 0 : i32
      %dma_wait3A_53 = arith.constant 0 : i32
      %dma_wait3A_54 = tpu.memref_slice %arg2[%add3A_20, %dma_wait3A_52, %dma_wait3A_53] : memref<4096x784x128xf32, #tpu.memory_space<hbm>> -> memref<1x784x128xf32, #tpu.memory_space<hbm>>
      %dma_wait3A_55 = tpu.memref_squeeze %dma_wait3A_54 : memref<1x784x128xf32, #tpu.memory_space<hbm>> -> memref<784x128xf32, #tpu.memory_space<hbm>>
      %dma_wait3A_56 = arith.constant 0 : i32
      %dma_wait3A_57 = arith.constant 0 : i32
      %dma_wait3A_58 = tpu.memref_slice %dma_wait3A_55[%dma_wait3A_56, %dma_wait3A_57] : memref<784x128xf32, #tpu.memory_space<hbm>> -> memref<784x128xf32, #tpu.memory_space<hbm>>
      tpu.wait_indirect_dma semaphore(%arg16 : memref<!tpu.dma_semaphore, #tpu.memory_space<semaphore_mem>>) src(%dma_wait3A_58 : memref<784x128xf32, #tpu.memory_space<hbm>>) dst(%arg10 : memref<80x128xf32, #tpu.memory_space<vmem>>)
      %scan3A_59 = arith.constant 0 : i32
      %scan3A_60 = arith.constant 0 : i32
      %scan3A_61 = arith.constant 8 : i32
      %scan3A_62 = arith.addi %scan3A_60, %scan3A_61 : i32
      %scan3A_63 = arith.constant 1 : i32
      %scan3A_64 = scf.for %scan3A_76 = %scan3A_60 to %scan3A_62 step %scan3A_63 iter_args(%scan3A_77 = %scan3A_59) -> (i32)  : i32 {
        %mul3A_78 = arith.constant 16 : i32
        %mul3A_79 = arith.muli %scan3A_76, %mul3A_78 : i32
        %swap3A_80 = arith.index_cast %mul3A_79 : i32 to index
        %swap3A_81 = tpu.vector_load %arg11[%swap3A_80] {strides = array<i32>} : memref<128xf32, #tpu.memory_space<vmem>>, vector<16xf32>,
        tpu.vector_store %arg11[%swap3A_80], %broadcast_in_dim3A_5 {strides = array<i32>} : memref<128xf32, #tpu.memory_space<vmem>>, vector<16xf32>,
        %mul3A_82 = arith.constant 16 : i32
        %mul3A_83 = arith.muli %scan3A_76, %mul3A_82 : i32
        %swap3A_84 = arith.index_cast %mul3A_83 : i32 to index
        %swap3A_85 = tpu.vector_load %arg12[%swap3A_84] {strides = array<i32>} : memref<128xi32, #tpu.memory_space<vmem>>, vector<16xi32>,
        tpu.vector_store %arg12[%swap3A_84], %broadcast_in_dim3A_3 {strides = array<i32>} : memref<128xi32, #tpu.memory_space<vmem>>, vector<16xi32>,
        %scan3A_86 = arith.constant 0 : i32
        scf.yield %scan3A_86 : i32
      }
      %scan3A_65 = arith.constant 8 : i32
      %swap3A_66 = arith.constant 0 : index
      %swap3A_67 = tpu.vector_load %arg14[%swap3A_66] {strides = array<i32>} : memref<16xi32, #tpu.memory_space<vmem>>, vector<16xi32>,
      tpu.vector_store %arg14[%swap3A_66], %broadcast_in_dim3A_3 {strides = array<i32>} : memref<16xi32, #tpu.memory_space<vmem>>, vector<16xi32>,
      %scan3A_68 = arith.constant 0 : i32
      %scan3A_69 = arith.constant 0 : i32
      %scan3A_70 = arith.constant 80 : i32
      %scan3A_71 = arith.addi %scan3A_69, %scan3A_70 : i32
      %scan3A_72 = arith.constant 1 : i32
      %scan3A_73 = scf.for %scan3A_76 = %scan3A_69 to %scan3A_71 step %scan3A_72 iter_args(%scan3A_77 = %scan3A_68) -> (i32)  : i32 {
        %get3A_78 = arith.index_cast %scan3A_76 : i32 to index
        %get3A_79 = tpu.vector_load %arg9[%get3A_78] {strides = array<i32>} : memref<96xi32, #tpu.memory_space<vmem>>, vector<16xi32>,
        %broadcast_in_dim3A_80 = vector.shape_cast %broadcast_in_dim3A_3 : vector<16xi32> to vector<16x1xi32>
        %gather3A_81 = vector.shape_cast %broadcast_in_dim3A_80 : vector<16x1xi32> to vector<16xi32>
        %gather3A_82 = tpu.dynamic_gather %get3A_79[%gather3A_81] in [0] : vector<16xi32>, vector<16xi32> -> vector<16xi32>
        %get3A_83 = arith.index_cast %scan3A_76 : i32 to index
        %get3A_84 = arith.constant 0 : index
        %get3A_85 = tpu.vector_load %arg10[%get3A_83, %get3A_84] {strides = array<i32>} : memref<80x128xf32, #tpu.memory_space<vmem>>, vector<16xf32>,
        %get3A_86 = arith.constant 0 : index
        %get3A_87 = tpu.vector_load %arg13[%get3A_86] {strides = array<i32>} : memref<16xf32, #tpu.memory_space<vmem>>, vector<16xf32>,
        %ge3A = arith.cmpf oge, %get3A_85, %get3A_87 : vector<16xf32>
        %select_n3A = arith.select %ge3A, %broadcast_in_dim3A_11, %broadcast_in_dim3A_3 : vector<16xi1>, vector<16xi32>
        %broadcast_in_dim3A_88 = arith.constant true
        %broadcast_in_dim3A_89 = vector.broadcast %broadcast_in_dim3A_88 : i1 to vector<16xi1>
        %masked_cumsum3A = tpu.scan <sum>, %select_n3A masked %broadcast_in_dim3A_89 : vector<16xi32>, vector<16xi1> -> vector<16xi32>
        %get3A_90 = arith.constant 0 : index
        %get3A_91 = tpu.vector_load %arg14[%get3A_90] {strides = array<i32>} : memref<16xi32, #tpu.memory_space<vmem>>, vector<16xi32>,
        %add3A_92 = arith.addi %get3A_91, %masked_cumsum3A : vector<16xi32>
        %sub3A = arith.constant 1 : i32
        %sub3A_93 = vector.broadcast %sub3A : i32 to vector<16xi32>
        %sub3A_94 = arith.subi %add3A_92, %sub3A_93 : vector<16xi32>
        %min3A = arith.constant 127 : i32
        %min3A_95 = vector.broadcast %min3A : i32 to vector<16xi32>
        %min3A_96 = arith.minsi %sub3A_94, %min3A_95 : vector<16xi32>
        %mul3A_97 = arith.constant 128 : i32
        %mul3A_98 = vector.broadcast %mul3A_97 : i32 to vector<16xi32>
        %mul3A_99 = arith.muli %gather3A_82, %mul3A_98 : vector<16xi32>
        %add3A_100 = arith.constant 0 : i32
        %add3A_101 = vector.broadcast %add3A_100 : i32 to vector<16xi32>
        %add3A_102 = arith.addi %mul3A_99, %add3A_101 : vector<16xi32>
        %add3A_103 = arith.addi %add3A_102, %iota3A : vector<16xi32>
        tpu.vector_store_idx %arg11[%min3A_96], %get3A_85 masked %ge3A : memref<128xf32, #tpu.memory_space<vmem>>[vector<16xi32>], vector<16xf32>, vector<16xi1>
        tpu.vector_store_idx %arg12[%min3A_96], %add3A_103 masked %ge3A : memref<128xi32, #tpu.memory_space<vmem>>[vector<16xi32>], vector<16xi32>, vector<16xi1>
        %broadcast_in_dim3A_104 = vector.shape_cast %broadcast_in_dim3A_9 : vector<16xi32> to vector<16x1xi32>
        %gather3A_105 = vector.shape_cast %broadcast_in_dim3A_104 : vector<16x1xi32> to vector<16xi32>
        %gather3A_106 = tpu.dynamic_gather %masked_cumsum3A[%gather3A_105] in [0] : vector<16xi32>, vector<16xi32> -> vector<16xi32>
        %add3A_107 = arith.addi %get3A_91, %gather3A_106 : vector<16xi32>
        %swap3A_108 = arith.constant 0 : index
        %swap3A_109 = tpu.vector_load %arg14[%swap3A_108] {strides = array<i32>} : memref<16xi32, #tpu.memory_space<vmem>>, vector<16xi32>,
        tpu.vector_store %arg14[%swap3A_108], %add3A_107 {strides = array<i32>} : memref<16xi32, #tpu.memory_space<vmem>>, vector<16xi32>,
        %get3A_110 = arith.index_cast %scan3A_76 : i32 to index
        %get3A_111 = arith.constant 16 : index
        %get3A_112 = tpu.vector_load %arg10[%get3A_110, %get3A_111] {strides = array<i32>} : memref<80x128xf32, #tpu.memory_space<vmem>>, vector<16xf32>,
        %get3A_113 = arith.constant 0 : index
        %get3A_114 = tpu.vector_load %arg13[%get3A_113] {strides = array<i32>} : memref<16xf32, #tpu.memory_space<vmem>>, vector<16xf32>,
        %ge3A_115 = arith.cmpf oge, %get3A_112, %get3A_114 : vector<16xf32>
        %select_n3A_116 = arith.select %ge3A_115, %broadcast_in_dim3A_11, %broadcast_in_dim3A_3 : vector<16xi1>, vector<16xi32>
        %broadcast_in_dim3A_117 = arith.constant true
        %broadcast_in_dim3A_118 = vector.broadcast %broadcast_in_dim3A_117 : i1 to vector<16xi1>
        %masked_cumsum3A_119 = tpu.scan <sum>, %select_n3A_116 masked %broadcast_in_dim3A_118 : vector<16xi32>, vector<16xi1> -> vector<16xi32>
        %get3A_120 = arith.constant 0 : index
        %get3A_121 = tpu.vector_load %arg14[%get3A_120] {strides = array<i32>} : memref<16xi32, #tpu.memory_space<vmem>>, vector<16xi32>,
        %add3A_122 = arith.addi %get3A_121, %masked_cumsum3A_119 : vector<16xi32>
        %sub3A_123 = arith.constant 1 : i32
        %sub3A_124 = vector.broadcast %sub3A_123 : i32 to vector<16xi32>
        %sub3A_125 = arith.subi %add3A_122, %sub3A_124 : vector<16xi32>
        %min3A_126 = arith.constant 127 : i32
        %min3A_127 = vector.broadcast %min3A_126 : i32 to vector<16xi32>
        %min3A_128 = arith.minsi %sub3A_125, %min3A_127 : vector<16xi32>
        %mul3A_129 = arith.constant 128 : i32
        %mul3A_130 = vector.broadcast %mul3A_129 : i32 to vector<16xi32>
        %mul3A_131 = arith.muli %gather3A_82, %mul3A_130 : vector<16xi32>
        %add3A_132 = arith.constant 16 : i32
        %add3A_133 = vector.broadcast %add3A_132 : i32 to vector<16xi32>
        %add3A_134 = arith.addi %mul3A_131, %add3A_133 : vector<16xi32>
        %add3A_135 = arith.addi %add3A_134, %iota3A : vector<16xi32>
        tpu.vector_store_idx %arg11[%min3A_128], %get3A_112 masked %ge3A_115 : memref<128xf32, #tpu.memory_space<vmem>>[vector<16xi32>], vector<16xf32>, vector<16xi1>
        tpu.vector_store_idx %arg12[%min3A_128], %add3A_135 masked %ge3A_115 : memref<128xi32, #tpu.memory_space<vmem>>[vector<16xi32>], vector<16xi32>, vector<16xi1>
        %broadcast_in_dim3A_136 = vector.shape_cast %broadcast_in_dim3A_9 : vector<16xi32> to vector<16x1xi32>
        %gather3A_137 = vector.shape_cast %broadcast_in_dim3A_136 : vector<16x1xi32> to vector<16xi32>
        %gather3A_138 = tpu.dynamic_gather %masked_cumsum3A_119[%gather3A_137] in [0] : vector<16xi32>, vector<16xi32> -> vector<16xi32>
        %add3A_139 = arith.addi %get3A_121, %gather3A_138 : vector<16xi32>
        %swap3A_140 = arith.constant 0 : index
        %swap3A_141 = tpu.vector_load %arg14[%swap3A_140] {strides = array<i32>} : memref<16xi32, #tpu.memory_space<vmem>>, vector<16xi32>,
        tpu.vector_store %arg14[%swap3A_140], %add3A_139 {strides = array<i32>} : memref<16xi32, #tpu.memory_space<vmem>>, vector<16xi32>,
        %get3A_142 = arith.index_cast %scan3A_76 : i32 to index
        %get3A_143 = arith.constant 32 : index
        %get3A_144 = tpu.vector_load %arg10[%get3A_142, %get3A_143] {strides = array<i32>} : memref<80x128xf32, #tpu.memory_space<vmem>>, vector<16xf32>,
        %get3A_145 = arith.constant 0 : index
        %get3A_146 = tpu.vector_load %arg13[%get3A_145] {strides = array<i32>} : memref<16xf32, #tpu.memory_space<vmem>>, vector<16xf32>,
        %ge3A_147 = arith.cmpf oge, %get3A_144, %get3A_146 : vector<16xf32>
        %select_n3A_148 = arith.select %ge3A_147, %broadcast_in_dim3A_11, %broadcast_in_dim3A_3 : vector<16xi1>, vector<16xi32>
        %broadcast_in_dim3A_149 = arith.constant true
        %broadcast_in_dim3A_150 = vector.broadcast %broadcast_in_dim3A_149 : i1 to vector<16xi1>
        %masked_cumsum3A_151 = tpu.scan <sum>, %select_n3A_148 masked %broadcast_in_dim3A_150 : vector<16xi32>, vector<16xi1> -> vector<16xi32>
        %get3A_152 = arith.constant 0 : index
        %get3A_153 = tpu.vector_load %arg14[%get3A_152] {strides = array<i32>} : memref<16xi32, #tpu.memory_space<vmem>>, vector<16xi32>,
        %add3A_154 = arith.addi %get3A_153, %masked_cumsum3A_151 : vector<16xi32>
        %sub3A_155 = arith.constant 1 : i32
        %sub3A_156 = vector.broadcast %sub3A_155 : i32 to vector<16xi32>
        %sub3A_157 = arith.subi %add3A_154, %sub3A_156 : vector<16xi32>
        %min3A_158 = arith.constant 127 : i32
        %min3A_159 = vector.broadcast %min3A_158 : i32 to vector<16xi32>
        %min3A_160 = arith.minsi %sub3A_157, %min3A_159 : vector<16xi32>
        %mul3A_161 = arith.constant 128 : i32
        %mul3A_162 = vector.broadcast %mul3A_161 : i32 to vector<16xi32>
        %mul3A_163 = arith.muli %gather3A_82, %mul3A_162 : vector<16xi32>
        %add3A_164 = arith.constant 32 : i32
        %add3A_165 = vector.broadcast %add3A_164 : i32 to vector<16xi32>
        %add3A_166 = arith.addi %mul3A_163, %add3A_165 : vector<16xi32>
        %add3A_167 = arith.addi %add3A_166, %iota3A : vector<16xi32>
        tpu.vector_store_idx %arg11[%min3A_160], %get3A_144 masked %ge3A_147 : memref<128xf32, #tpu.memory_space<vmem>>[vector<16xi32>], vector<16xf32>, vector<16xi1>
        tpu.vector_store_idx %arg12[%min3A_160], %add3A_167 masked %ge3A_147 : memref<128xi32, #tpu.memory_space<vmem>>[vector<16xi32>], vector<16xi32>, vector<16xi1>
        %broadcast_in_dim3A_168 = vector.shape_cast %broadcast_in_dim3A_9 : vector<16xi32> to vector<16x1xi32>
        %gather3A_169 = vector.shape_cast %broadcast_in_dim3A_168 : vector<16x1xi32> to vector<16xi32>
        %gather3A_170 = tpu.dynamic_gather %masked_cumsum3A_151[%gather3A_169] in [0] : vector<16xi32>, vector<16xi32> -> vector<16xi32>
        %add3A_171 = arith.addi %get3A_153, %gather3A_170 : vector<16xi32>
        %swap3A_172 = arith.constant 0 : index
        %swap3A_173 = tpu.vector_load %arg14[%swap3A_172] {strides = array<i32>} : memref<16xi32, #tpu.memory_space<vmem>>, vector<16xi32>,
        tpu.vector_store %arg14[%swap3A_172], %add3A_171 {strides = array<i32>} : memref<16xi32, #tpu.memory_space<vmem>>, vector<16xi32>,
        %get3A_174 = arith.index_cast %scan3A_76 : i32 to index
        %get3A_175 = arith.constant 48 : index
        %get3A_176 = tpu.vector_load %arg10[%get3A_174, %get3A_175] {strides = array<i32>} : memref<80x128xf32, #tpu.memory_space<vmem>>, vector<16xf32>,
        %get3A_177 = arith.constant 0 : index
        %get3A_178 = tpu.vector_load %arg13[%get3A_177] {strides = array<i32>} : memref<16xf32, #tpu.memory_space<vmem>>, vector<16xf32>,
        %ge3A_179 = arith.cmpf oge, %get3A_176, %get3A_178 : vector<16xf32>
        %select_n3A_180 = arith.select %ge3A_179, %broadcast_in_dim3A_11, %broadcast_in_dim3A_3 : vector<16xi1>, vector<16xi32>
        %broadcast_in_dim3A_181 = arith.constant true
        %broadcast_in_dim3A_182 = vector.broadcast %broadcast_in_dim3A_181 : i1 to vector<16xi1>
        %masked_cumsum3A_183 = tpu.scan <sum>, %select_n3A_180 masked %broadcast_in_dim3A_182 : vector<16xi32>, vector<16xi1> -> vector<16xi32>
        %get3A_184 = arith.constant 0 : index
        %get3A_185 = tpu.vector_load %arg14[%get3A_184] {strides = array<i32>} : memref<16xi32, #tpu.memory_space<vmem>>, vector<16xi32>,
        %add3A_186 = arith.addi %get3A_185, %masked_cumsum3A_183 : vector<16xi32>
        %sub3A_187 = arith.constant 1 : i32
        %sub3A_188 = vector.broadcast %sub3A_187 : i32 to vector<16xi32>
        %sub3A_189 = arith.subi %add3A_186, %sub3A_188 : vector<16xi32>
        %min3A_190 = arith.constant 127 : i32
        %min3A_191 = vector.broadcast %min3A_190 : i32 to vector<16xi32>
        %min3A_192 = arith.minsi %sub3A_189, %min3A_191 : vector<16xi32>
        %mul3A_193 = arith.constant 128 : i32
        %mul3A_194 = vector.broadcast %mul3A_193 : i32 to vector<16xi32>
        %mul3A_195 = arith.muli %gather3A_82, %mul3A_194 : vector<16xi32>
        %add3A_196 = arith.constant 48 : i32
        %add3A_197 = vector.broadcast %add3A_196 : i32 to vector<16xi32>
        %add3A_198 = arith.addi %mul3A_195, %add3A_197 : vector<16xi32>
        %add3A_199 = arith.addi %add3A_198, %iota3A : vector<16xi32>
        tpu.vector_store_idx %arg11[%min3A_192], %get3A_176 masked %ge3A_179 : memref<128xf32, #tpu.memory_space<vmem>>[vector<16xi32>], vector<16xf32>, vector<16xi1>
        tpu.vector_store_idx %arg12[%min3A_192], %add3A_199 masked %ge3A_179 : memref<128xi32, #tpu.memory_space<vmem>>[vector<16xi32>], vector<16xi32>, vector<16xi1>
        %broadcast_in_dim3A_200 = vector.shape_cast %broadcast_in_dim3A_9 : vector<16xi32> to vector<16x1xi32>
        %gather3A_201 = vector.shape_cast %broadcast_in_dim3A_200 : vector<16x1xi32> to vector<16xi32>
        %gather3A_202 = tpu.dynamic_gather %masked_cumsum3A_183[%gather3A_201] in [0] : vector<16xi32>, vector<16xi32> -> vector<16xi32>
        %add3A_203 = arith.addi %get3A_185, %gather3A_202 : vector<16xi32>
        %swap3A_204 = arith.constant 0 : index
        %swap3A_205 = tpu.vector_load %arg14[%swap3A_204] {strides = array<i32>} : memref<16xi32, #tpu.memory_space<vmem>>, vector<16xi32>,
        tpu.vector_store %arg14[%swap3A_204], %add3A_203 {strides = array<i32>} : memref<16xi32, #tpu.memory_space<vmem>>, vector<16xi32>,
        %get3A_206 = arith.index_cast %scan3A_76 : i32 to index
        %get3A_207 = arith.constant 64 : index
        %get3A_208 = tpu.vector_load %arg10[%get3A_206, %get3A_207] {strides = array<i32>} : memref<80x128xf32, #tpu.memory_space<vmem>>, vector<16xf32>,
        %get3A_209 = arith.constant 0 : index
        %get3A_210 = tpu.vector_load %arg13[%get3A_209] {strides = array<i32>} : memref<16xf32, #tpu.memory_space<vmem>>, vector<16xf32>,
        %ge3A_211 = arith.cmpf oge, %get3A_208, %get3A_210 : vector<16xf32>
        %select_n3A_212 = arith.select %ge3A_211, %broadcast_in_dim3A_11, %broadcast_in_dim3A_3 : vector<16xi1>, vector<16xi32>
        %broadcast_in_dim3A_213 = arith.constant true
        %broadcast_in_dim3A_214 = vector.broadcast %broadcast_in_dim3A_213 : i1 to vector<16xi1>
        %masked_cumsum3A_215 = tpu.scan <sum>, %select_n3A_212 masked %broadcast_in_dim3A_214 : vector<16xi32>, vector<16xi1> -> vector<16xi32>
        %get3A_216 = arith.constant 0 : index
        %get3A_217 = tpu.vector_load %arg14[%get3A_216] {strides = array<i32>} : memref<16xi32, #tpu.memory_space<vmem>>, vector<16xi32>,
        %add3A_218 = arith.addi %get3A_217, %masked_cumsum3A_215 : vector<16xi32>
        %sub3A_219 = arith.constant 1 : i32
        %sub3A_220 = vector.broadcast %sub3A_219 : i32 to vector<16xi32>
        %sub3A_221 = arith.subi %add3A_218, %sub3A_220 : vector<16xi32>
        %min3A_222 = arith.constant 127 : i32
        %min3A_223 = vector.broadcast %min3A_222 : i32 to vector<16xi32>
        %min3A_224 = arith.minsi %sub3A_221, %min3A_223 : vector<16xi32>
        %mul3A_225 = arith.constant 128 : i32
        %mul3A_226 = vector.broadcast %mul3A_225 : i32 to vector<16xi32>
        %mul3A_227 = arith.muli %gather3A_82, %mul3A_226 : vector<16xi32>
        %add3A_228 = arith.constant 64 : i32
        %add3A_229 = vector.broadcast %add3A_228 : i32 to vector<16xi32>
        %add3A_230 = arith.addi %mul3A_227, %add3A_229 : vector<16xi32>
        %add3A_231 = arith.addi %add3A_230, %iota3A : vector<16xi32>
        tpu.vector_store_idx %arg11[%min3A_224], %get3A_208 masked %ge3A_211 : memref<128xf32, #tpu.memory_space<vmem>>[vector<16xi32>], vector<16xf32>, vector<16xi1>
        tpu.vector_store_idx %arg12[%min3A_224], %add3A_231 masked %ge3A_211 : memref<128xi32, #tpu.memory_space<vmem>>[vector<16xi32>], vector<16xi32>, vector<16xi1>
        %broadcast_in_dim3A_232 = vector.shape_cast %broadcast_in_dim3A_9 : vector<16xi32> to vector<16x1xi32>
        %gather3A_233 = vector.shape_cast %broadcast_in_dim3A_232 : vector<16x1xi32> to vector<16xi32>
        %gather3A_234 = tpu.dynamic_gather %masked_cumsum3A_215[%gather3A_233] in [0] : vector<16xi32>, vector<16xi32> -> vector<16xi32>
        %add3A_235 = arith.addi %get3A_217, %gather3A_234 : vector<16xi32>
        %swap3A_236 = arith.constant 0 : index
        %swap3A_237 = tpu.vector_load %arg14[%swap3A_236] {strides = array<i32>} : memref<16xi32, #tpu.memory_space<vmem>>, vector<16xi32>,
        tpu.vector_store %arg14[%swap3A_236], %add3A_235 {strides = array<i32>} : memref<16xi32, #tpu.memory_space<vmem>>, vector<16xi32>,
        %get3A_238 = arith.index_cast %scan3A_76 : i32 to index
        %get3A_239 = arith.constant 80 : index
        %get3A_240 = tpu.vector_load %arg10[%get3A_238, %get3A_239] {strides = array<i32>} : memref<80x128xf32, #tpu.memory_space<vmem>>, vector<16xf32>,
        %get3A_241 = arith.constant 0 : index
        %get3A_242 = tpu.vector_load %arg13[%get3A_241] {strides = array<i32>} : memref<16xf32, #tpu.memory_space<vmem>>, vector<16xf32>,
        %ge3A_243 = arith.cmpf oge, %get3A_240, %get3A_242 : vector<16xf32>
        %select_n3A_244 = arith.select %ge3A_243, %broadcast_in_dim3A_11, %broadcast_in_dim3A_3 : vector<16xi1>, vector<16xi32>
        %broadcast_in_dim3A_245 = arith.constant true
        %broadcast_in_dim3A_246 = vector.broadcast %broadcast_in_dim3A_245 : i1 to vector<16xi1>
        %masked_cumsum3A_247 = tpu.scan <sum>, %select_n3A_244 masked %broadcast_in_dim3A_246 : vector<16xi32>, vector<16xi1> -> vector<16xi32>
        %get3A_248 = arith.constant 0 : index
        %get3A_249 = tpu.vector_load %arg14[%get3A_248] {strides = array<i32>} : memref<16xi32, #tpu.memory_space<vmem>>, vector<16xi32>,
        %add3A_250 = arith.addi %get3A_249, %masked_cumsum3A_247 : vector<16xi32>
        %sub3A_251 = arith.constant 1 : i32
        %sub3A_252 = vector.broadcast %sub3A_251 : i32 to vector<16xi32>
        %sub3A_253 = arith.subi %add3A_250, %sub3A_252 : vector<16xi32>
        %min3A_254 = arith.constant 127 : i32
        %min3A_255 = vector.broadcast %min3A_254 : i32 to vector<16xi32>
        %min3A_256 = arith.minsi %sub3A_253, %min3A_255 : vector<16xi32>
        %mul3A_257 = arith.constant 128 : i32
        %mul3A_258 = vector.broadcast %mul3A_257 : i32 to vector<16xi32>
        %mul3A_259 = arith.muli %gather3A_82, %mul3A_258 : vector<16xi32>
        %add3A_260 = arith.constant 80 : i32
        %add3A_261 = vector.broadcast %add3A_260 : i32 to vector<16xi32>
        %add3A_262 = arith.addi %mul3A_259, %add3A_261 : vector<16xi32>
        %add3A_263 = arith.addi %add3A_262, %iota3A : vector<16xi32>
        tpu.vector_store_idx %arg11[%min3A_256], %get3A_240 masked %ge3A_243 : memref<128xf32, #tpu.memory_space<vmem>>[vector<16xi32>], vector<16xf32>, vector<16xi1>
        tpu.vector_store_idx %arg12[%min3A_256], %add3A_263 masked %ge3A_243 : memref<128xi32, #tpu.memory_space<vmem>>[vector<16xi32>], vector<16xi32>, vector<16xi1>
        %broadcast_in_dim3A_264 = vector.shape_cast %broadcast_in_dim3A_9 : vector<16xi32> to vector<16x1xi32>
        %gather3A_265 = vector.shape_cast %broadcast_in_dim3A_264 : vector<16x1xi32> to vector<16xi32>
        %gather3A_266 = tpu.dynamic_gather %masked_cumsum3A_247[%gather3A_265] in [0] : vector<16xi32>, vector<16xi32> -> vector<16xi32>
        %add3A_267 = arith.addi %get3A_249, %gather3A_266 : vector<16xi32>
        %swap3A_268 = arith.constant 0 : index
        %swap3A_269 = tpu.vector_load %arg14[%swap3A_268] {strides = array<i32>} : memref<16xi32, #tpu.memory_space<vmem>>, vector<16xi32>,
        tpu.vector_store %arg14[%swap3A_268], %add3A_267 {strides = array<i32>} : memref<16xi32, #tpu.memory_space<vmem>>, vector<16xi32>,
        %get3A_270 = arith.index_cast %scan3A_76 : i32 to index
        %get3A_271 = arith.constant 96 : index
        %get3A_272 = tpu.vector_load %arg10[%get3A_270, %get3A_271] {strides = array<i32>} : memref<80x128xf32, #tpu.memory_space<vmem>>, vector<16xf32>,
        %get3A_273 = arith.constant 0 : index
        %get3A_274 = tpu.vector_load %arg13[%get3A_273] {strides = array<i32>} : memref<16xf32, #tpu.memory_space<vmem>>, vector<16xf32>,
        %ge3A_275 = arith.cmpf oge, %get3A_272, %get3A_274 : vector<16xf32>
        %select_n3A_276 = arith.select %ge3A_275, %broadcast_in_dim3A_11, %broadcast_in_dim3A_3 : vector<16xi1>, vector<16xi32>
        %broadcast_in_dim3A_277 = arith.constant true
        %broadcast_in_dim3A_278 = vector.broadcast %broadcast_in_dim3A_277 : i1 to vector<16xi1>
        %masked_cumsum3A_279 = tpu.scan <sum>, %select_n3A_276 masked %broadcast_in_dim3A_278 : vector<16xi32>, vector<16xi1> -> vector<16xi32>
        %get3A_280 = arith.constant 0 : index
        %get3A_281 = tpu.vector_load %arg14[%get3A_280] {strides = array<i32>} : memref<16xi32, #tpu.memory_space<vmem>>, vector<16xi32>,
        %add3A_282 = arith.addi %get3A_281, %masked_cumsum3A_279 : vector<16xi32>
        %sub3A_283 = arith.constant 1 : i32
        %sub3A_284 = vector.broadcast %sub3A_283 : i32 to vector<16xi32>
        %sub3A_285 = arith.subi %add3A_282, %sub3A_284 : vector<16xi32>
        %min3A_286 = arith.constant 127 : i32
        %min3A_287 = vector.broadcast %min3A_286 : i32 to vector<16xi32>
        %min3A_288 = arith.minsi %sub3A_285, %min3A_287 : vector<16xi32>
        %mul3A_289 = arith.constant 128 : i32
        %mul3A_290 = vector.broadcast %mul3A_289 : i32 to vector<16xi32>
        %mul3A_291 = arith.muli %gather3A_82, %mul3A_290 : vector<16xi32>
        %add3A_292 = arith.constant 96 : i32
        %add3A_293 = vector.broadcast %add3A_292 : i32 to vector<16xi32>
        %add3A_294 = arith.addi %mul3A_291, %add3A_293 : vector<16xi32>
        %add3A_295 = arith.addi %add3A_294, %iota3A : vector<16xi32>
        tpu.vector_store_idx %arg11[%min3A_288], %get3A_272 masked %ge3A_275 : memref<128xf32, #tpu.memory_space<vmem>>[vector<16xi32>], vector<16xf32>, vector<16xi1>
        tpu.vector_store_idx %arg12[%min3A_288], %add3A_295 masked %ge3A_275 : memref<128xi32, #tpu.memory_space<vmem>>[vector<16xi32>], vector<16xi32>, vector<16xi1>
        %broadcast_in_dim3A_296 = vector.shape_cast %broadcast_in_dim3A_9 : vector<16xi32> to vector<16x1xi32>
        %gather3A_297 = vector.shape_cast %broadcast_in_dim3A_296 : vector<16x1xi32> to vector<16xi32>
        %gather3A_298 = tpu.dynamic_gather %masked_cumsum3A_279[%gather3A_297] in [0] : vector<16xi32>, vector<16xi32> -> vector<16xi32>
        %add3A_299 = arith.addi %get3A_281, %gather3A_298 : vector<16xi32>
        %swap3A_300 = arith.constant 0 : index
        %swap3A_301 = tpu.vector_load %arg14[%swap3A_300] {strides = array<i32>} : memref<16xi32, #tpu.memory_space<vmem>>, vector<16xi32>,
        tpu.vector_store %arg14[%swap3A_300], %add3A_299 {strides = array<i32>} : memref<16xi32, #tpu.memory_space<vmem>>, vector<16xi32>,
        %get3A_302 = arith.index_cast %scan3A_76 : i32 to index
        %get3A_303 = arith.constant 112 : index
        %get3A_304 = tpu.vector_load %arg10[%get3A_302, %get3A_303] {strides = array<i32>} : memref<80x128xf32, #tpu.memory_space<vmem>>, vector<16xf32>,
        %get3A_305 = arith.constant 0 : index
        %get3A_306 = tpu.vector_load %arg13[%get3A_305] {strides = array<i32>} : memref<16xf32, #tpu.memory_space<vmem>>, vector<16xf32>,
        %ge3A_307 = arith.cmpf oge, %get3A_304, %get3A_306 : vector<16xf32>
        %select_n3A_308 = arith.select %ge3A_307, %broadcast_in_dim3A_11, %broadcast_in_dim3A_3 : vector<16xi1>, vector<16xi32>
        %broadcast_in_dim3A_309 = arith.constant true
        %broadcast_in_dim3A_310 = vector.broadcast %broadcast_in_dim3A_309 : i1 to vector<16xi1>
        %masked_cumsum3A_311 = tpu.scan <sum>, %select_n3A_308 masked %broadcast_in_dim3A_310 : vector<16xi32>, vector<16xi1> -> vector<16xi32>
        %get3A_312 = arith.constant 0 : index
        %get3A_313 = tpu.vector_load %arg14[%get3A_312] {strides = array<i32>} : memref<16xi32, #tpu.memory_space<vmem>>, vector<16xi32>,
        %add3A_314 = arith.addi %get3A_313, %masked_cumsum3A_311 : vector<16xi32>
        %sub3A_315 = arith.constant 1 : i32
        %sub3A_316 = vector.broadcast %sub3A_315 : i32 to vector<16xi32>
        %sub3A_317 = arith.subi %add3A_314, %sub3A_316 : vector<16xi32>
        %min3A_318 = arith.constant 127 : i32
        %min3A_319 = vector.broadcast %min3A_318 : i32 to vector<16xi32>
        %min3A_320 = arith.minsi %sub3A_317, %min3A_319 : vector<16xi32>
        %mul3A_321 = arith.constant 128 : i32
        %mul3A_322 = vector.broadcast %mul3A_321 : i32 to vector<16xi32>
        %mul3A_323 = arith.muli %gather3A_82, %mul3A_322 : vector<16xi32>
        %add3A_324 = arith.constant 112 : i32
        %add3A_325 = vector.broadcast %add3A_324 : i32 to vector<16xi32>
        %add3A_326 = arith.addi %mul3A_323, %add3A_325 : vector<16xi32>
        %add3A_327 = arith.addi %add3A_326, %iota3A : vector<16xi32>
        tpu.vector_store_idx %arg11[%min3A_320], %get3A_304 masked %ge3A_307 : memref<128xf32, #tpu.memory_space<vmem>>[vector<16xi32>], vector<16xf32>, vector<16xi1>
        tpu.vector_store_idx %arg12[%min3A_320], %add3A_327 masked %ge3A_307 : memref<128xi32, #tpu.memory_space<vmem>>[vector<16xi32>], vector<16xi32>, vector<16xi1>
        %broadcast_in_dim3A_328 = vector.shape_cast %broadcast_in_dim3A_9 : vector<16xi32> to vector<16x1xi32>
        %gather3A_329 = vector.shape_cast %broadcast_in_dim3A_328 : vector<16x1xi32> to vector<16xi32>
        %gather3A_330 = tpu.dynamic_gather %masked_cumsum3A_311[%gather3A_329] in [0] : vector<16xi32>, vector<16xi32> -> vector<16xi32>
        %add3A_331 = arith.addi %get3A_313, %gather3A_330 : vector<16xi32>
        %swap3A_332 = arith.constant 0 : index
        %swap3A_333 = tpu.vector_load %arg14[%swap3A_332] {strides = array<i32>} : memref<16xi32, #tpu.memory_space<vmem>>, vector<16xi32>,
        tpu.vector_store %arg14[%swap3A_332], %add3A_331 {strides = array<i32>} : memref<16xi32, #tpu.memory_space<vmem>>, vector<16xi32>,
        %scan3A_334 = arith.constant 0 : i32
        scf.yield %scan3A_334 : i32
      }
      %scan3A_74 = arith.constant 80 : i32
      "tpu.region"() ({
        %run_scoped3A = tpu.sem_alloc : memref<!tpu.dma_semaphore, #tpu.memory_space<semaphore_mem>>
        %dma_start3A_76 = arith.constant 0 : i32
        %dma_start3A_77 = tpu.memref_slice %arg5[%add3A_20, %dma_start3A_76] : memref<4096x128xf32, #tpu.memory_space<hbm>> -> memref<1x128xf32, #tpu.memory_space<hbm>>
        %dma_start3A_78 = tpu.memref_squeeze %dma_start3A_77 : memref<1x128xf32, #tpu.memory_space<hbm>> -> memref<128xf32, #tpu.memory_space<hbm>>
        %dma_start3A_79 = arith.constant 0 : i32
        %dma_start3A_80 = tpu.memref_slice %arg5[%add3A_20, %dma_start3A_79] : memref<4096x128xf32, #tpu.memory_space<hbm>> -> memref<1x128xf32, #tpu.memory_space<hbm>>
        %dma_start3A_81 = tpu.memref_squeeze %dma_start3A_80 : memref<1x128xf32, #tpu.memory_space<hbm>> -> memref<128xf32, #tpu.memory_space<hbm>>
        tpu.enqueue_dma source(%arg11 : memref<128xf32, #tpu.memory_space<vmem>>) target(%dma_start3A_81 : memref<128xf32, #tpu.memory_space<hbm>>) target_semaphore(%run_scoped3A : memref<!tpu.dma_semaphore, #tpu.memory_space<semaphore_mem>>)
        %dma_wait3A_82 = arith.constant 0 : i32
        %dma_wait3A_83 = tpu.memref_slice %arg5[%add3A_20, %dma_wait3A_82] : memref<4096x128xf32, #tpu.memory_space<hbm>> -> memref<1x128xf32, #tpu.memory_space<hbm>>
        %dma_wait3A_84 = tpu.memref_squeeze %dma_wait3A_83 : memref<1x128xf32, #tpu.memory_space<hbm>> -> memref<128xf32, #tpu.memory_space<hbm>>
        %dma_wait3A_85 = arith.constant 0 : i32
        %dma_wait3A_86 = tpu.memref_slice %arg5[%add3A_20, %dma_wait3A_85] : memref<4096x128xf32, #tpu.memory_space<hbm>> -> memref<1x128xf32, #tpu.memory_space<hbm>>
        %dma_wait3A_87 = tpu.memref_squeeze %dma_wait3A_86 : memref<1x128xf32, #tpu.memory_space<hbm>> -> memref<128xf32, #tpu.memory_space<hbm>>
        tpu.wait_dma2 semaphore(%run_scoped3A : memref<!tpu.dma_semaphore, #tpu.memory_space<semaphore_mem>>) src(%arg11 : memref<128xf32, #tpu.memory_space<vmem>>) dst(%dma_wait3A_87 : memref<128xf32, #tpu.memory_space<hbm>>)
        tpu.yield
      }) : () -> ()
      "tpu.region"() ({
        %run_scoped3A = tpu.sem_alloc : memref<!tpu.dma_semaphore, #tpu.memory_space<semaphore_mem>>
        %dma_start3A_76 = arith.constant 0 : i32
        %dma_start3A_77 = tpu.memref_slice %arg6[%add3A_20, %dma_start3A_76] : memref<4096x128xi32, #tpu.memory_space<hbm>> -> memref<1x128xi32, #tpu.memory_space<hbm>>
        %dma_start3A_78 = tpu.memref_squeeze %dma_start3A_77 : memref<1x128xi32, #tpu.memory_space<hbm>> -> memref<128xi32, #tpu.memory_space<hbm>>
        %dma_start3A_79 = arith.constant 0 : i32
        %dma_start3A_80 = tpu.memref_slice %arg6[%add3A_20, %dma_start3A_79] : memref<4096x128xi32, #tpu.memory_space<hbm>> -> memref<1x128xi32, #tpu.memory_space<hbm>>
        %dma_start3A_81 = tpu.memref_squeeze %dma_start3A_80 : memref<1x128xi32, #tpu.memory_space<hbm>> -> memref<128xi32, #tpu.memory_space<hbm>>
        tpu.enqueue_dma source(%arg12 : memref<128xi32, #tpu.memory_space<vmem>>) target(%dma_start3A_81 : memref<128xi32, #tpu.memory_space<hbm>>) target_semaphore(%run_scoped3A : memref<!tpu.dma_semaphore, #tpu.memory_space<semaphore_mem>>)
        %dma_wait3A_82 = arith.constant 0 : i32
        %dma_wait3A_83 = tpu.memref_slice %arg6[%add3A_20, %dma_wait3A_82] : memref<4096x128xi32, #tpu.memory_space<hbm>> -> memref<1x128xi32, #tpu.memory_space<hbm>>
        %dma_wait3A_84 = tpu.memref_squeeze %dma_wait3A_83 : memref<1x128xi32, #tpu.memory_space<hbm>> -> memref<128xi32, #tpu.memory_space<hbm>>
        %dma_wait3A_85 = arith.constant 0 : i32
        %dma_wait3A_86 = tpu.memref_slice %arg6[%add3A_20, %dma_wait3A_85] : memref<4096x128xi32, #tpu.memory_space<hbm>> -> memref<1x128xi32, #tpu.memory_space<hbm>>
        %dma_wait3A_87 = tpu.memref_squeeze %dma_wait3A_86 : memref<1x128xi32, #tpu.memory_space<hbm>> -> memref<128xi32, #tpu.memory_space<hbm>>
        tpu.wait_dma2 semaphore(%run_scoped3A : memref<!tpu.dma_semaphore, #tpu.memory_space<semaphore_mem>>) src(%arg12 : memref<128xi32, #tpu.memory_space<vmem>>) dst(%dma_wait3A_87 : memref<128xi32, #tpu.memory_space<hbm>>)
        tpu.yield
      }) : () -> ()
      %scan3A_75 = arith.constant 0 : i32
      scf.yield %scan3A_75 : i32
    }
    %scan3A_17 = arith.constant 128 : i32
    return
  }
}

module attributes {stable_mosaic.version = 14 : i64} {
  func.func @_mm_body(%arg0: i32, %arg1: i32, %arg2: memref<1024x512xf32, #tpu.memory_space<vmem>>, %arg3: memref<1024x512xf32, #tpu.memory_space<vmem>>, %arg4: memref<1024x1024xf32, #tpu.memory_space<vmem>>, %arg5: memref<1x1024x8xf32, #tpu.memory_space<vmem>>) attributes {dimension_semantics = [#tpu.dimension_semantics<arbitrary>, #tpu.dimension_semantics<arbitrary>], iteration_bounds = array<i64: 4, 98>, scalar_prefetch = 0 : i64, scratch_operands = 0 : i64, tpu.core_type = #tpu.core_type<tc>, window_params = [{transform_indices = @transform_0, window_bounds = array<i64: 1024, 512>}, {transform_indices = @transform_1, window_bounds = array<i64: 1024, 512>}, {transform_indices = @transform_2, window_bounds = array<i64: 1024, 1024>}, {transform_indices = @transform_3, window_bounds = array<i64: 1, 1024, 8>}]} {
    %get3A = arith.constant 0 : index
    %get3A_0 = arith.constant 0 : index
    %get3A_1 = vector.load %arg2[%get3A, %get3A_0] : memref<1024x512xf32, #tpu.memory_space<vmem>>, vector<1024x512xf32>
    %get3A_2 = arith.constant 0 : index
    %get3A_3 = arith.constant 0 : index
    %get3A_4 = vector.load %arg3[%get3A_2, %get3A_3] : memref<1024x512xf32, #tpu.memory_space<vmem>>, vector<1024x512xf32>
    %dot_general3A = arith.constant dense<0.000000e+00> : vector<1024x1024xf32>
    %dot_general3A_5 = tpu.matmul %get3A_1, %get3A_4, %dot_general3A {dimension_numbers = #tpu.dot_dimension_numbers<[1], [1], [0], [0], [0, 0, 1, 0], [], []>, transpose_lhs_hint = false} : vector<1024x512xf32>, vector<1024x512xf32>, vector<1024x1024xf32> -> vector<1024x1024xf32>
    %mul3A = arith.constant 1024 : i32
    %mul3A_6 = arith.muli %arg1, %mul3A : i32
    %iota3A = tpu.iota {dimensions = array<i32: 1>} : vector<1024x1024xi32>
    %add3A = vector.broadcast %mul3A_6 : i32 to vector<1024x1024xi32>
    %add3A_7 = arith.addi %add3A, %iota3A : vector<1024x1024xi32>
    %lt3A = arith.constant 100000 : i32
    %lt3A_8 = vector.broadcast %lt3A : i32 to vector<1024x1024xi32>
    %lt3A_9 = arith.cmpi slt, %add3A_7, %lt3A_8 : vector<1024x1024xi32>
    %jit3A = arith.constant 0xFF800000 : f32
    %broadcast_in_dim3A = vector.broadcast %jit3A : f32 to vector<1024x1024xf32>
    %select_n3A = arith.select %lt3A_9, %dot_general3A_5, %broadcast_in_dim3A : vector<1024x1024xi1>, vector<1024x1024xf32>
    %swap3A = arith.constant 0 : index
    %swap3A_10 = arith.constant 0 : index
    %swap3A_11 = vector.load %arg4[%swap3A, %swap3A_10] : memref<1024x1024xf32, #tpu.memory_space<vmem>>, vector<1024x1024xf32>
    tpu.vector_store %arg4[%swap3A, %swap3A_10], %select_n3A {strides = array<i32>} : memref<1024x1024xf32, #tpu.memory_space<vmem>>, vector<1024x1024xf32>,
    %reshape3A = vector.shape_cast %select_n3A : vector<1024x1024xf32> to vector<1024x8x128xf32>
    %reduce_max3A = arith.constant dense<0xFF800000> : vector<1024x8xf32>
    %reduce_max3A_12 = vector.multi_reduction <maximumf>, %reshape3A, %reduce_max3A [2] : vector<1024x8x128xf32> to vector<1024x8xf32>
    %broadcast_in_dim3A_13 = vector.shape_cast %reduce_max3A_12 : vector<1024x8xf32> to vector<1x1024x8xf32>
    %swap3A_14 = arith.constant 0 : index
    %swap3A_15 = arith.constant 0 : index
    %swap3A_16 = arith.constant 0 : index
    %swap3A_17 = vector.load %arg5[%swap3A_14, %swap3A_15, %swap3A_16] : memref<1x1024x8xf32, #tpu.memory_space<vmem>>, vector<1x1024x8xf32>
    tpu.vector_store %arg5[%swap3A_14, %swap3A_15, %swap3A_16], %broadcast_in_dim3A_13 {strides = array<i32>} : memref<1x1024x8xf32, #tpu.memory_space<vmem>>, vector<1x1024x8xf32>,
    return
  }
  func.func @transform_0(%arg0: i32, %arg1: i32) -> (i32, i32) {
    %c0_i32 = arith.constant 0 : i32
    %c0_i32_0 = arith.constant 0 : i32
    return %arg0, %c0_i32 : i32, i32
  }
  func.func @transform_1(%arg0: i32, %arg1: i32) -> (i32, i32) {
    %c0_i32 = arith.constant 0 : i32
    %c0_i32_0 = arith.constant 0 : i32
    return %arg1, %c0_i32 : i32, i32
  }
  func.func @transform_2(%arg0: i32, %arg1: i32) -> (i32, i32) {
    %c0_i32 = arith.constant 0 : i32
    return %arg0, %arg1 : i32, i32
  }
  func.func @transform_3(%arg0: i32, %arg1: i32) -> (i32, i32, i32) {
    %c0_i32 = arith.constant 0 : i32
    %c0_i32_0 = arith.constant 0 : i32
    return %arg1, %arg0, %c0_i32 : i32, i32, i32
  }
}

module attributes {stable_mosaic.version = 14 : i64} {
  func.func @_tau_body(%arg0: i32, %arg1: memref<256x784xf32, #tpu.memory_space<vmem>>, %arg2: memref<256x1xf32, #tpu.memory_space<vmem>>) attributes {dimension_semantics = [#tpu.dimension_semantics<arbitrary>], iteration_bounds = array<i64: 16>, scalar_prefetch = 0 : i64, scratch_operands = 0 : i64, tpu.core_type = #tpu.core_type<tc>, window_params = [{transform_indices = @transform_0, window_bounds = array<i64: 256, 784>}, {transform_indices = @transform_1, window_bounds = array<i64: 256, 1>}]} {
    %get3A = arith.constant 0 : index
    %get3A_0 = arith.constant 0 : index
    %get3A_1 = vector.load %arg1[%get3A, %get3A_0] : memref<256x784xf32, #tpu.memory_space<vmem>>, vector<256x784xf32>
    %scan3A = arith.constant 0 : i32
    %scan3A_2 = arith.constant 63 : i32
    %scan3A_3 = arith.addi %scan3A, %scan3A_2 : i32
    %scan3A_4 = arith.constant 1 : i32
    %scan3A_5 = scf.for %scan3A_9 = %scan3A to %scan3A_3 step %scan3A_4 iter_args(%scan3A_10 = %get3A_1) -> (vector<256x784xf32>)  : i32 {
      %reduce_max3A_11 = arith.constant dense<0xFF800000> : vector<256xf32>
      %reduce_max3A_12 = vector.multi_reduction <maximumf>, %scan3A_10, %reduce_max3A_11 [1] : vector<256x784xf32> to vector<256xf32>
      %broadcast_in_dim3A_13 = vector.shape_cast %reduce_max3A_12 : vector<256xf32> to vector<256x1xf32>
      %eq3A = vector.broadcast %broadcast_in_dim3A_13 : vector<256x1xf32> to vector<256x784xf32>
      %eq3A_14 = arith.cmpf oeq, %scan3A_10, %eq3A : vector<256x784xf32>
      %jit3A = arith.constant 0xFF800000 : f32
      %broadcast_in_dim3A_15 = vector.broadcast %jit3A : f32 to vector<256x784xf32>
      %select_n3A = arith.select %eq3A_14, %broadcast_in_dim3A_15, %scan3A_10 : vector<256x784xi1>, vector<256x784xf32>
      scf.yield %select_n3A : vector<256x784xf32>
    }
    %reduce_max3A = arith.constant dense<0xFF800000> : vector<256xf32>
    %reduce_max3A_6 = vector.multi_reduction <maximumf>, %scan3A_5, %reduce_max3A [1] : vector<256x784xf32> to vector<256xf32>
    %broadcast_in_dim3A = vector.shape_cast %reduce_max3A_6 : vector<256xf32> to vector<256x1xf32>
    %swap3A = arith.constant 0 : index
    %swap3A_7 = arith.constant 0 : index
    %swap3A_8 = vector.load %arg2[%swap3A, %swap3A_7] : memref<256x1xf32, #tpu.memory_space<vmem>>, vector<256x1xf32>
    tpu.vector_store %arg2[%swap3A, %swap3A_7], %broadcast_in_dim3A {strides = array<i32>} : memref<256x1xf32, #tpu.memory_space<vmem>>, vector<256x1xf32>,
    return
  }
  func.func @transform_0(%arg0: i32) -> (i32, i32) {
    %c0_i32 = arith.constant 0 : i32
    %c0_i32_0 = arith.constant 0 : i32
    return %arg0, %c0_i32 : i32, i32
  }
  func.func @transform_1(%arg0: i32) -> (i32, i32) {
    %c0_i32 = arith.constant 0 : i32
    %c0_i32_0 = arith.constant 0 : i32
    return %arg0, %c0_i32 : i32, i32
  }
}

module attributes {stable_mosaic.version = 14 : i64} {
  func.func @_topk_body(%arg0: i32, %arg1: memref<256x128xf32, #tpu.memory_space<vmem>>, %arg2: memref<256x128xi32, #tpu.memory_space<vmem>>, %arg3: memref<256x64xi32, #tpu.memory_space<vmem>>) attributes {dimension_semantics = [#tpu.dimension_semantics<arbitrary>], iteration_bounds = array<i64: 16>, scalar_prefetch = 0 : i64, scratch_operands = 0 : i64, tpu.core_type = #tpu.core_type<tc>, window_params = [{transform_indices = @transform_0, window_bounds = array<i64: 256, 128>}, {transform_indices = @transform_1, window_bounds = array<i64: 256, 128>}, {transform_indices = @transform_2, window_bounds = array<i64: 256, 64>}]} {
    %get3A = arith.constant 0 : index
    %get3A_0 = arith.constant 0 : index
    %get3A_1 = vector.load %arg1[%get3A, %get3A_0] : memref<256x128xf32, #tpu.memory_space<vmem>>, vector<256x128xf32>
    %get3A_2 = arith.constant 0 : index
    %get3A_3 = arith.constant 0 : index
    %get3A_4 = vector.load %arg2[%get3A_2, %get3A_3] : memref<256x128xi32, #tpu.memory_space<vmem>>, vector<256x128xi32>
    %iota3A = tpu.iota {dimensions = array<i32: 1>} : vector<256x64xi32>
    %broadcast_in_dim3A = arith.constant 0 : i32
    %broadcast_in_dim3A_5 = vector.broadcast %broadcast_in_dim3A : i32 to vector<256x64xi32>
    %scan3A = arith.constant 1073741824 : i32
    %scan3A_6 = arith.constant 0 : i32
    %scan3A_7 = arith.constant 64 : i32
    %scan3A_8 = arith.addi %scan3A_6, %scan3A_7 : i32
    %scan3A_9 = arith.constant 1 : i32
    %scan3A_10:2 = scf.for %scan3A_14 = %scan3A_6 to %scan3A_8 step %scan3A_9 iter_args(%scan3A_15 = %get3A_1, %scan3A_16 = %broadcast_in_dim3A_5) -> (vector<256x128xf32>, vector<256x64xi32>)  : i32 {
      %reduce_max3A = arith.constant dense<0xFF800000> : vector<256xf32>
      %reduce_max3A_17 = vector.multi_reduction <maximumf>, %scan3A_15, %reduce_max3A [1] : vector<256x128xf32> to vector<256xf32>
      %broadcast_in_dim3A_18 = vector.shape_cast %reduce_max3A_17 : vector<256xf32> to vector<256x1xf32>
      %eq3A = vector.broadcast %broadcast_in_dim3A_18 : vector<256x1xf32> to vector<256x128xf32>
      %eq3A_19 = arith.cmpf oeq, %scan3A_15, %eq3A : vector<256x128xf32>
      %broadcast_in_dim3A_20 = vector.broadcast %scan3A : i32 to vector<256x128xi32>
      %select_n3A = arith.select %eq3A_19, %get3A_4, %broadcast_in_dim3A_20 : vector<256x128xi1>, vector<256x128xi32>
      %reduce_min3A = arith.constant dense<2147483647> : vector<256xi32>
      %reduce_min3A_21 = vector.multi_reduction <minsi>, %select_n3A, %reduce_min3A [1] : vector<256x128xi32> to vector<256xi32>
      %broadcast_in_dim3A_22 = vector.shape_cast %reduce_min3A_21 : vector<256xi32> to vector<256x1xi32>
      %eq3A_23 = vector.broadcast %scan3A_14 : i32 to vector<256x64xi32>
      %eq3A_24 = arith.cmpi eq, %iota3A, %eq3A_23 : vector<256x64xi32>
      %broadcast_in_dim3A_25 = vector.shape_cast %broadcast_in_dim3A_22 : vector<256x1xi32> to vector<256x1xi32>
      %broadcast_in_dim3A_26 = vector.broadcast %broadcast_in_dim3A_25 : vector<256x1xi32> to vector<256x64xi32>
      %select_n3A_27 = arith.select %eq3A_24, %broadcast_in_dim3A_26, %scan3A_16 : vector<256x64xi1>, vector<256x64xi32>
      %eq3A_28 = vector.broadcast %broadcast_in_dim3A_18 : vector<256x1xf32> to vector<256x128xf32>
      %eq3A_29 = arith.cmpf oeq, %scan3A_15, %eq3A_28 : vector<256x128xf32>
      %eq3A_30 = vector.broadcast %broadcast_in_dim3A_22 : vector<256x1xi32> to vector<256x128xi32>
      %eq3A_31 = arith.cmpi eq, %get3A_4, %eq3A_30 : vector<256x128xi32>
      %and3A = arith.andi %eq3A_29, %eq3A_31 : vector<256x128xi1>
      %jit3A = arith.constant 0xFF800000 : f32
      %broadcast_in_dim3A_32 = vector.broadcast %jit3A : f32 to vector<256x128xf32>
      %select_n3A_33 = arith.select %and3A, %broadcast_in_dim3A_32, %scan3A_15 : vector<256x128xi1>, vector<256x128xf32>
      scf.yield %select_n3A_33, %select_n3A_27 : vector<256x128xf32>, vector<256x64xi32>
    }
    %scan3A_11 = arith.constant 64 : i32
    %swap3A = arith.constant 0 : index
    %swap3A_12 = arith.constant 0 : index
    %swap3A_13 = vector.load %arg3[%swap3A, %swap3A_12] : memref<256x64xi32, #tpu.memory_space<vmem>>, vector<256x64xi32>
    tpu.vector_store %arg3[%swap3A, %swap3A_12], %scan3A_10#1 {strides = array<i32>} : memref<256x64xi32, #tpu.memory_space<vmem>>, vector<256x64xi32>,
    return
  }
  func.func @transform_0(%arg0: i32) -> (i32, i32) {
    %c0_i32 = arith.constant 0 : i32
    %c0_i32_0 = arith.constant 0 : i32
    return %arg0, %c0_i32 : i32, i32
  }
  func.func @transform_1(%arg0: i32) -> (i32, i32) {
    %c0_i32 = arith.constant 0 : i32
    %c0_i32_0 = arith.constant 0 : i32
    return %arg0, %c0_i32 : i32, i32
  }
  func.func @transform_2(%arg0: i32) -> (i32, i32) {
    %c0_i32 = arith.constant 0 : i32
    %c0_i32_0 = arith.constant 0 : i32
    return %arg0, %c0_i32 : i32, i32
  }
}

</mosaic_0001>

<sc_bundles>
// kernel: kernel.6.cloned.1.call-start
scs
__scs_entry_jumppad:
0x0: {  	(pc) =	sbr.rel $0x88, $3  }
0x1: {  	(tag) =	ssettag $0x0;
	lr =	simm.s32 $0x1  }
0x2: {  	[smem:$0x3F9F] =	sst lr;
	_ =	strace $0xD0000000  }
0x3: {  	_ = 	snop  }
0x4: {  	_ = 	snop  }
0x5: {  	_ = 	snop  }
0x6: {  	_ = 	snop  }
0x7: {  	_ = 	snop  }
__scs_overlays_trampoline_lowered:
0x8: {  	[smem:$0x3FAE] =	sst s0  }
0x9: {  	[smem:$0x3FAF] =	sst s1  }
0xa: {  	[smem:$0x3FB0] =	sst s2  }
0xb: {  	[smem:$0x3FB1] =	sst s3  }
0xc: {  	[smem:$0x3FB2] =	sst s4  }
0xd: {  	[smem:$0x3FB3] =	sst s5  }
0xe: {  	[smem:$0x3FB4] =	sst s6  }
0xf: {  	[smem:$0x3FB5] =	sst s7  }
0x10: {  	[smem:$0x3FB6] =	sst s8  }
0x11: {  	[smem:$0x3FB7] =	sst s9;
	s0 =	simm.s32 @!p0 $0x0  }
0x12: {  	s1 =	sld [smem:$0x3F9D];
	s0 =	simm.s32 @p0 $0x1  }
0x13: {  	[smem:$0x3FB8] =	sst s0;
	s0 =	simm.s32 @!p1 $0x0  }
0x14: {  	s2 =	sld [smem:$0x3F9C];
	s0 =	simm.s32 @p1 $0x1  }
0x15: {  	[smem:$0x3FB9] =	sst s0;
	s0 =	simm.s32 @!p2 $0x0  }
0x16: {  	s3 =	sld [smem:$0x3FDB];
	s0 =	simm.s32 @p2 $0x1  }
0x17: {  	s4 =	simm.s32 $0x1BF5;
	[smem:$0x3FBB] =	sst s0  }
0x18: {  	s0 =	sld [smem:$0x3F9E];
	_ =	swait.ge [sflag:s4], $0x0  }
0x19: {  	s7 =	sld [smem:$0x3F9F]  }
0x1a: {  	s8 =	sadd.s32 $0xFFFFE003, lr  }
0x1b: {  	s9 =	sadd.s32 $0xFFFFFEF7, lr;
	s5 =	simm.s32 $0xFFFFFFFF;
	p2 =	slt.u32 s8, $0xFFFFF086  }
0x1c: {  	p1 =	slt.u32 s9, $0xF7A;
	s5 =	simm.s32 @!p2 $0x0  }
0x1d: {  	s5 =	simm.s32 @p1 $0x1;
	p0 =	seq.s32 s7, s2  }
0x1e: {  	s7 =	smul.u32 @!p0 $0xF7A, s2;
	p2 =	seq.s32 @!p0 s5, $0x0  }
0x1f: {  	s9 =	smul.u32 $0xF7A, s1;
	s8 =	simm.s32 @!p0 $0x1BF5;
	p2 =	por !p2, p0  }
0x20: {  	[sflag:s8] =	ssyncset.s32 @!p0 $0xFFFFF086;
	s6 =	sadd.s32 @!p0 s3, s7;
	s7 =	simm.s32 @!p0 $0x108  }
0x21: {  	s3 =	sadd.s32 s3, s9;
	s6 =	sadd.s32 @!p0 $0x88, s6;
	s7 =	simm.s32 @p2 $0x1082  }
0x22: {  	[simem:s7], [sflag:s8] =	dma.local @!p0 [hbm:s6], $0xF7A  }
0x23: {  	s9 =	sor.u32 $0xD0000000, s2;
	s6 =	simm.s32 $0x108;
	_ =	swait.ge @!p0 [sflag:s8], $0x0  }
0x24: {  	s3 =	sadd.s32 $0x88, s3;
	s6 =	simm.s32 @!p1 $0x1082;
	[sflag:s4] =	ssyncset.s32 $0xFFFFF086  }
0x25: {  	[simem:s6], [sflag:s4] =	dma.local [hbm:s3], $0xF7A  }
0x26: {  	[smem:$0x3F9F] =	sst s1;
	(tag) =	ssettag s2;
	_ =	strace s9  }
0x27: {  	s1 =	sld [smem:$0x3FAF]  }
0x28: {  	s2 =	sld [smem:$0x3FB0]  }
0x29: {  	s4 =	sld [smem:$0x3FB2]  }
0x2a: {  	p0 =	seq.s32 s5, $0x0;
	s5 =	sld [smem:$0x3FB3]  }
0x2b: {  	s6 =	sld [smem:$0x3FB4]  }
0x2c: {  	s7 =	sld [smem:$0x3FB5]  }
0x2d: {  	s3 =	simm.s32 $0x108;
	s8 =	sld [smem:$0x3FB6]  }
0x2e: {  	s3 =	simm.s32 @!p0 $0x1082;
	s9 =	sld [smem:$0x3FB7]  }
0x2f: {  	lr =	sadd.s32 s0, s3;
	s0 =	sld [smem:$0x3FAE]  }
0x30: {  	s3 =	sld [smem:$0x3FB1]  }
0x31: {  	[smem:$0x3FBA] =	sst s10  }
0x32: {  	s10 =	sld [smem:$0x3FB8];
	_ =	sdelay $0x3  }
0x33: {  	p0 =	seq.s32 s10, $0x1;
	s10 =	sld [smem:$0x3FBA];
	_ =	sdelay $0x3  }
0x34: {  	[smem:$0x3FBA] =	sst s10  }
0x35: {  	s10 =	sld [smem:$0x3FB9];
	_ =	sdelay $0x3  }
0x36: {  	p1 =	seq.s32 s10, $0x1;
	s10 =	sld [smem:$0x3FBA];
	_ =	sdelay $0x3  }
0x37: {  	[smem:$0x3FBA] =	sst s10  }
0x38: {  	s10 =	sld [smem:$0x3FBB]  }
0x39: {  	_ = 	snop;
	(pc) =	sbr.ind lr, $3  }
0x3a: {  	_ = 	snop  }
0x3b: {  	_ = 	snop  }
0x3c: {  	p2 =	seq.s32 s10, $0x1;
	s10 =	sld [smem:$0x3FBA]  }
0x3d: {  	_ =	shalt  }
0x3e: {  	_ =	shalt  }
0x3f: {  	_ =	shalt  }
0x40: {  	_ =	shalt  }
0x41: {  	_ =	shalt  }
0x42: {  	_ =	shalt  }
0x43: {  	_ =	shalt  }
0x44: {  	_ =	shalt  }
0x45: {  	_ =	shalt  }
0x46: {  	_ =	shalt  }
0x47: {  	_ =	shalt  }
0x48: {  	_ =	shalt  }
0x49: {  	_ =	shalt  }
0x4a: {  	_ =	shalt  }
0x4b: {  	_ =	shalt  }
0x4c: {  	_ =	shalt  }
0x4d: {  	_ =	shalt  }
0x4e: {  	_ =	shalt  }
0x4f: {  	_ =	shalt  }
0x50: {  	_ =	shalt  }
0x51: {  	_ =	shalt  }
0x52: {  	_ =	shalt  }
0x53: {  	_ =	shalt  }
0x54: {  	_ =	shalt  }
0x55: {  	_ =	shalt  }
0x56: {  	_ =	shalt  }
0x57: {  	_ =	shalt  }
0x58: {  	_ =	shalt  }
0x59: {  	_ =	shalt  }
0x5a: {  	_ =	shalt  }
0x5b: {  	_ =	shalt  }
0x5c: {  	_ =	shalt  }
0x5d: {  	_ =	shalt  }
0x5e: {  	_ =	shalt  }
0x5f: {  	_ =	shalt  }
0x60: {  	_ =	shalt  }
0x61: {  	_ =	shalt  }
0x62: {  	_ =	shalt  }
0x63: {  	_ =	shalt  }
0x64: {  	_ =	shalt  }
0x65: {  	_ =	shalt  }
0x66: {  	_ =	shalt  }
0x67: {  	_ =	shalt  }
0x68: {  	_ =	shalt  }
0x69: {  	_ =	shalt  }
0x6a: {  	_ =	shalt  }
0x6b: {  	_ =	shalt  }
0x6c: {  	_ =	shalt  }
0x6d: {  	_ =	shalt  }
0x6e: {  	_ =	shalt  }
0x6f: {  	_ =	shalt  }
0x70: {  	_ =	shalt  }
0x71: {  	_ =	shalt  }
0x72: {  	_ =	shalt  }
0x73: {  	_ =	shalt  }
0x74: {  	_ =	shalt  }
0x75: {  	_ =	shalt  }
0x76: {  	_ =	shalt  }
0x77: {  	_ =	shalt  }
0x78: {  	_ =	shalt  }
0x79: {  	_ =	shalt  }
0x7a: {  	_ =	shalt  }
0x7b: {  	_ =	shalt  }
0x7c: {  	_ =	shalt  }
0x7d: {  	_ =	shalt  }
0x7e: {  	_ =	shalt  }
0x7f: {  	_ =	shalt  }
0x80: {  	_ =	shalt  }
0x81: {  	_ =	shalt  }
0x82: {  	_ =	shalt  }
0x83: {  	_ =	shalt  }
0x84: {  	_ =	shalt  }
0x85: {  	_ =	shalt  }
0x86: {  	_ =	shalt  }
0x87: {  	_ =	shalt  }
.Lfunc_end0:
.L_simem_size_0:
called_computation.1_lowered:
.L_overlay_start_0:
0x88: {  	s2 =	sld [smem:$0x3FD9]  }
0x89: {  	s3 =	sld [smem:$0x3FFE];
	_ =	sdelay $0x1  }
0x8a: {  	s1 =	srdreg.scid  }
0x8b: {  	s0 =	sand.u32 $0x1, s1  }
0x8c: {  	s17 =	sshll.u32 s0, $0xA;
	s2 =	sadd.s32 s3, s2  }
0x8d: {  	s2 =	sadd.s32 s2, s17  }
0x8e: {  	[smem:$0x3FC6] =	sst s2  }
0x8f: {  	_ = 	snop  }
0x90: {  	s2 =	sld [smem:$0x3FD0];
	(tm) =	ssettm $0x1  }
0x91: {  	s18 =	sld [smem:$0x3FFB];
	_ =	sdelay $0x3  }
0x92: {  	_ =	strace s18  }
0x93: {  	s3 =	sld [smem:$0x3FFC];
	_ =	sdelay $0x3  }
0x94: {  	_ =	strace s3  }
0x95: {  	s3 =	sld [smem:$0x3FFD];
	_ =	sdelay $0x3  }
0x96: {  	_ =	strace s3  }
0x97: {  	_ =	strace $0x8FFFFFFF  }
0x98: {  	s19 =	sld [smem:$0x3FDB];
	_ =	sdelay $0x1  }
0x99: {  	s4 =	simm.s32 $_scs_section_size  }
0x9a: {  	s5 =	simm.s32 $_size__tile_overlayer_lowered;
	s6 =	simm.s32 $_tile_overlayer_lowered  }
0x9b: {  	s22 =	simm.s32 $0x1BFF;
	s21 =	sshll.u32 s6, $0x1;
	s3 =	sadd.s32 s4, s19  }
0x9c: {  	s7 =	simm.s32 $0x0;
	s20 =	sshll.u32 s5, $0x1;
	s5 =	sadd.s32 s21, s3  }
0x9d: {  	[timem:s7], [sflag:s22] =	dma.local [hbm:s5], s20  }
0x9e: {  	_ =	swait.ge [sflag:s22], s20  }
0x9f: {  	s4 =	ssub.s32 $0x0, s20;
	[sflag:s22] =	ssyncset.done $0x0  }
0xa0: {  	[sflag:s22] =	ssyncadd.s32 s4;
	_ =	sdelay $0x1  }
0xa1: {  	s23 =	simm.s32 $0x1B8B  }
0xa2: {  	_ =	swait.ge [sflag:s23], $0x1  }
0xa3: {  	[sflag:s23] =	ssyncset.done $0x0  }
0xa4: {  	s25 =	simm.s32 $0x1B8E;
	s24 =	sld [smem:$0x3FFE];
	[sflag:s23] =	ssyncadd.s32 $0xFFFFFFFF  }
0xa5: {  	s26 =	simm.s32 $execute0_lowered;
	[smem:$0x3FD2] =	sst s25  }
0xa6: {  	s5 =	sshll.u32 s26, $0x1;
	_ =	strace $0x80000049;
	[dreg:$0x1] =	wrdreg $0xFFFFFFFF  }
0xa7: {  	s28 =	simm.s32 $_size_execute0_lowered;
	s3 =	sadd.s32 s3, s5;
	[dreg:$0x0] =	wrdreg $0x0  }
0xa8: {  	s5 =	sshll.u32 s28, $0x1;
	[dreg:$0x2] =	wrdreg s3  }
0xa9: {  	[dreg:$0x3] =	wrdreg s5  }
0xaa: {  	[dreg:$0x4] =	wrdreg $0xC0  }
0xab: {  	_ =	task [dreg:s7], $0x5FFFF  }
0xac: {  	[dreg:$0x1] =	wrdreg $0xFFFFFFFF  }
0xad: {  	[dreg:$0x0] =	wrdreg $0x60  }
0xae: {  	[dreg:$0x2] =	wrdreg s24  }
0xaf: {  	[dreg:$0x3] =	wrdreg s2  }
0xb0: {  	[dreg:$0x4] =	wrdreg $0x9  }
0xb1: {  	_ =	task.clear_ibuf [dreg:s7], $0x5FFFF;
	_ =	strace $0x90000049  }
0xb2: {  	s29 =	simm.s32 $0x9;
	_ =	strace $0x8000004B  }
0xb3: {  	_ =	swait.ge [sflag:s29], $0x1  }
0xb4: {  	[sflag:s29] =	ssyncadd.s32 $0xFFFFFFFF  }
0xb5: {  	_ =	strace $0x9000004B  }
0xb6: {  	_ =	sfence  }
0xb7: {  	s30 =	sld [smem:$0x0];
	_ =	sdelay $0x2  }
0xb8: {  	s31 =	sshll.u32 s1, $0xD;
	s1 =	sshrl.u32 s1, $0x2  }
0xb9: {  	s3 =	sand.u32 $0x4000, s31;
	s1 =	sadd.s32 s1, s30  }
0xba: {  	s0 =	sor.u32 s3, s0;
	s1 =	sshll.u32 s1, $0x11  }
0xbb: {  	s0 =	sor.u32 s1, s0  }
0xbc: {  	s0 =	sadd.s32 $0x8F2B, s0  }
0xbd: {  	[sflag:s0] =	ssyncadd.remote.s32 $0x1  }
0xbe: {  	_ =	sfence.sel $0xFFFF  }
0xbf: {  	[dreg:$0x0] =	wrdreg $0xFFFFFFFF;
	(pc) =	sbr.abs _section_cstart, $3  }
0xc0: {  	[dreg:$0x1] =	wrdreg $0xFFFFFFFF  }
0xc1: {  	_ =	task.clear_ibuf [dreg:s7], $0x2FFFF;
	_ =	strace $0x9FFFFFFF  }
0xc2: {  	(tm) =	ssettm $0x7FFFFFFF  }
0xc3: {  	_ =	shalt  }
tec
execute0_lowered:
.L_overlay_start_1:
0x0: {  	(tag) =	ssettag $0x1  }
0x1: {  	s7 =	rddreg [dreg:$0x0]  }
0x2: {  	s8 =	rddreg [dreg:$0x1]  }
0x3: {  	s0 =	rddreg [dreg:$0x2]  }
0x4: {  	s2 =	simm.s32 $0x0;
	s3 =	srdreg.scid;
	s1 =	stileid.u32  }
0x5: {  	s12 =	simm.s32 $0x400;
	s13 =	simm.s32 $0x100;
	s14 =	simm.s32 $0x480  }
0x6: {  	s15 =	simm.s32 $0x50;
	s16 =	simm.s32 $0x500;
	s17 =	simm.s32 $0x1  }
0x7: {  	s18 =	simm.s32 $0x2D00;
	s19 =	simm.s32 $0x2D80;
	s20 =	simm.s32 $0x0  }
0x8: {  	[smem:$0x7FF] =	sst s2;
	s5 =	sand.u32 $0x1, s3;
	s3 =	sadd.s32 $0x3D41200, s7  }
0x9: {  	s6 =	sshll.u32 s1, $0x8;
	s4 =	sadd.s32 $0x1200, s7;
	s9 =	sshll.u32 s5, $0x7  }
0xa: {  	v0 =	vimm.s32 $0x0;
	v1 =	vimm.s32 $0x30E;
	v2 =	vlaneseq.u32;
	_ =	strace $0x8000004A;
	s10 =	ssub.s32 $0x2, s5;
	s5 =	sor.u32 s9, s6  }
0xb: {  	v3 =	vimm.s32 $0xF;
	v4 =	vimm.f32 $-Inf;
	v5 =	vor.u32 $0x10, v2;
	s6 =	sadd.s32 $0x71200, s7;
	s31 =	sshrl.u32 s10, $0x1;
	s7 =	sadd.s32 $0x81200, s7  }
0xc: {  	v6 =	vor.u32 $0x20, v2;
	v7 =	vor.u32 $0x30, v2;
	v8 =	vor.u32 $0x40, v2;
	s11 =	sshrl.u32 s5, $0x3;
	s9 =	ssub.s32 s10, s31;
	s10 =	simm.s32 $0x2  }
0xd: {  	v9 =	vor.u32 $0x50, v2;
	v10 =	vor.u32 $0x60, v2;
	v11 =	vor.u32 $0x70, v2;
	s8 =	sadd.s32 s8, s11;
	s9 =	smax.u32 s9, $0x1;
	s11 =	simm.s32 $0x80  }
.LBB2_1:
0xe: {  	[tilespmem:s2], [sflag:$0x2] =	stream.linear.gather [hbm4b:s8+s2], $0x80, $0x38;
	[tilespmem:$0x2F80] =	vst v63  }
0xf: {  	_ =	swait.ge [sflag:s10], $0x80  }
0x10: {  	[sflag:s10] =	ssyncset.done $0x0  }
0x11: {  	s21 =	simm.s32 $0x0;
	[sflag:s10] =	ssyncadd.s32 $0xFFFFFF80  }
.LBB2_2:
0x12: {  	s24 =	sor.u32 s5, s21  }
0x13: {  	s22 =	sshrl.u32 s24, $0x3  }
0x14: {  	s23 =	sshll.u32 s21, $0x7;
	s25 =	smul.u32 $0x1C00, s22  }
0x15: {  	s23 =	sand.u32 $0x380, s23  }
0x16: {  	s25 =	sor.u32 s23, s25  }
0x17: {  	s25 =	sshrl.u32 s25, $0x3  }
0x18: {  	s25 =	sadd.s32 s4, s25  }
0x19: {  	[tilespmem:s13], [sflag:$0x2] =	stream.strided.gather [hbm4b:s25+s11], $0x380, s12, s11, $0x38;
	[tilespmem:$0x2F80] =	vst v63  }
0x1a: {  	_ =	swait.ge [sflag:s10], $0x380  }
0x1b: {  	[sflag:s10] =	ssyncset.done $0x0  }
0x1c: {  	[sflag:s10] =	ssyncadd.s32 $0xFFFFFC80  }
0x1d: {  	v12 =	vld [tilespmem:s21+$0x0]  }
0x1e: {  	[tilespmem:$0x480] =	vst v1  }
0x1f: {  	[tilespmem:$0x490] =	vst v1  }
0x20: {  	[tilespmem:$0x4A0] =	vst v1  }
0x21: {  	[tilespmem:$0x4B0] =	vst v1  }
0x22: {  	[tilespmem:$0x4C0] =	vst v1;
	v12 =	vperm.xlane v12, v0  }
0x23: {  	[tilespmem:$0x2E80] =	vst v0  }
0x24: {  	[tilespmem:$0x2E00] =	vst v12;
	v12 =	vlaneseq.u32  }
0x25: {  	s26 =	simm.s32 $0x0;
	s25 =	simm.s32 $0x40;
	[tilespmem:$0x2F00] =	vst v12;
	v13 =	vld [tilespmem:$0x2E00]  }
.LBB2_3:
0x26: {  	p0 =	sne.s32 s25, $0xC00;
	v14 =	vld [tilespmem:s26+$0x100];
	_ =	sdelay $0x4  }
0x27: {  	vm0 =	vge.f32 v14, v13  }
0x28: {  	v13 =	vsel vm0, $0x1, v0  }
0x29: {  	(xrf0) =	vadd.scan.msk.s32 $0xffff, v13;
	_ =	sdelay $0x1  }
0x2a: {  	v13 =	vld [tilespmem:$0x2E80];
	_ =	sdelay $0x3  }
0x2b: {  	v14, _, _ =	vpop (xrf0)  }
0x2c: {  	v15 =	vadd.s32 v14, v13;
	v14 =	vperm.xlane v14, v3  }
0x2d: {  	v15 =	vadd.s32 $0xFFFFFFFF, v15  }
0x2e: {  	vm1 =	vlt.s32 v15, $0x4F;
	v13 =	vadd.s32 v13, v14  }
0x2f: {  	v14 =	vnsel vm1, $0x4F, v15;
	_ =	sdelay $0x4  }
0x30: {  	[tilespmem:v14+s14+$0x0] =	vst.idx.msk vm0, v12  }
0x31: {  	[tilespmem:$0x2E80] =	vst v13;
	v12 =	vld [tilespmem:$0x2F00];
	_ =	sdelay $0x1  }
.Ltmp0:
0x32: {  	(pc) =	sbr.rel @p0 .LBB2_3-.Ltmp0, $3  }
0x33: {  	_ =	sdelay $0x1  }
0x34: {  	v12 =	vadd.s32 $0x10, v12  }
0x35: {  	s26 =	sshra.s32 s25, $0x2;
	s25 =	sadd.s32 $0x40, s25;
	v13 =	vld [tilespmem:$0x2E00];
	[tilespmem:$0x2F00] =	vst v12  }
0x36: {  	v14 =	vld [tilespmem:s26+$0x100];
	_ =	sdelay $0x4  }
0x37: {  	vm0 =	vge.f32 v14, v13  }
0x38: {  	v13 =	vsel vm0, $0x1, v0  }
0x39: {  	(xrf0) =	vadd.scan.msk.s32 $0xffff, v13;
	_ =	sdelay $0x1  }
0x3a: {  	v13 =	vld [tilespmem:$0x2E80];
	_ =	sdelay $0x3  }
0x3b: {  	v14, _, _ =	vpop (xrf0)  }
0x3c: {  	v15 =	vadd.s32 v14, v13  }
0x3d: {  	v15 =	vadd.s32 $0xFFFFFFFF, v15  }
0x3e: {  	vm1 =	vlt.s32 v15, $0x4F  }
0x3f: {  	v15 =	vnsel vm1, $0x4F, v15;
	_ =	sdelay $0x4  }
0x40: {  	[tilespmem:v15+s14+$0x0] =	vst.idx.msk vm0, v12  }
0x41: {  	v12 =	vld [tilespmem:$0x2F00];
	_ =	sdelay $0x1  }
0x42: {  	v14 =	vperm.xlane v14, v3;
	_ =	sdelay $0x1  }
0x43: {  	s24 =	smul.u32 $0x3100, s24;
	v13 =	vadd.s32 v13, v14  }
0x44: {  	[tilespmem:$0x2E80] =	vst v13;
	v12 =	vadd.s32 $0x10, v12  }
0x45: {  	s24 =	sadd.s32 s3, s24;
	[tilespmem:$0x2F00] =	vst v12  }
0x46: {  	[tilespmem:s16], [sflag:$0x1] =	stream.indirect.gather [hbm4b:s24+s15], $0x80, s14, s15, $0xb8;
	[tilespmem:$0x2F80] =	vst v63  }
0x47: {  	_ =	swait.ge [sflag:s17], $0x2800  }
0x48: {  	[sflag:s17] =	ssyncset.done $0x0  }
0x49: {  	[sflag:s17] =	ssyncadd.s32 $0xFFFFD800  }
0x4a: {  	v12 =	vimm.s32 $0x0;
	[tilespmem:$0x2D00] =	vst v4  }
0x4b: {  	[tilespmem:$0x2D80] =	vst v12  }
0x4c: {  	[tilespmem:$0x2D10] =	vst v4  }
0x4d: {  	[tilespmem:$0x2D90] =	vst v12  }
0x4e: {  	[tilespmem:$0x2D20] =	vst v4  }
0x4f: {  	[tilespmem:$0x2DA0] =	vst v12  }
0x50: {  	[tilespmem:$0x2D30] =	vst v4  }
0x51: {  	[tilespmem:$0x2DB0] =	vst v12  }
0x52: {  	[tilespmem:$0x2D40] =	vst v4  }
0x53: {  	[tilespmem:$0x2DC0] =	vst v12  }
0x54: {  	[tilespmem:$0x2D50] =	vst v4  }
0x55: {  	[tilespmem:$0x2DD0] =	vst v12  }
0x56: {  	[tilespmem:$0x2D60] =	vst v4  }
0x57: {  	[tilespmem:$0x2DE0] =	vst v12  }
0x58: {  	[tilespmem:$0x2D70] =	vst v4  }
0x59: {  	[tilespmem:$0x2DF0] =	vst v12  }
0x5a: {  	s25 =	simm.s32 $0x540;
	s24 =	simm.s32 $0x0;
	[tilespmem:$0x2E80] =	vst v12  }
.LBB2_5:
0x5b: {  	v13 =	vld [tilespmem:s25+$0xFFFFFFC0]  }
0x5c: {  	v14 =	vld [tilespmem:$0x2E00];
	_ =	sdelay $0x4  }
0x5d: {  	vm0 =	vge.f32 v13, v14  }
0x5e: {  	v14 =	vsel vm0, $0x1, v0  }
0x5f: {  	(xrf0) =	vadd.scan.msk.s32 $0xffff, v14;
	_ =	sdelay $0x5  }
0x60: {  	s26 =	sshra.s32 s24, $0x2;
	v14, _, _ =	vpop (xrf0)  }
0x61: {  	v15 =	vld [tilespmem:s26+$0x480];
	v16 =	vadd.s32 v14, v12  }
0x62: {  	v16 =	vadd.s32 $0xFFFFFFFF, v16  }
0x63: {  	vm1 =	vlt.s32 v16, $0x7F  }
0x64: {  	v16 =	vnsel vm1, $0x7F, v16;
	_ =	sdelay $0x1  }
0x65: {  	v15 =	vperm.xlane v15, v0;
	_ =	sdelay $0x1  }
0x66: {  	v15 =	vshll.u32 v15, $0x7;
	v14 =	vperm.xlane v14, v3  }
0x67: {  	v17 =	vor.u32 v2, v15;
	[tilespmem:v16+s18+$0x0] =	vst.idx.msk vm0, v13  }
0x68: {  	v12 =	vadd.s32 v12, v14;
	[tilespmem:v16+s19+$0x0] =	vst.idx.msk vm0, v17  }
0x69: {  	[tilespmem:$0x2E80] =	vst v12;
	v14 =	vld [tilespmem:$0x2E00]  }
0x6a: {  	v13 =	vld [tilespmem:s25+$0xFFFFFFD0];
	_ =	sdelay $0x4  }
0x6b: {  	vm14 =	vge.f32 v13, v14  }
0x6c: {  	v14 =	vsel vm14, $0x1, v0  }
0x6d: {  	(xrf0) =	vadd.scan.msk.s32 $0xffff, v14;
	_ =	sdelay $0x5  }
0x6e: {  	v14, _, _ =	vpop (xrf0)  }
0x6f: {  	v51 =	vadd.s32 v14, v12  }
0x70: {  	v16 =	vadd.s32 $0xFFFFFFFF, v51  }
0x71: {  	vm15 =	vlt.s32 v16, $0x7F  }
0x72: {  	v16 =	vnsel vm15, $0x7F, v16;
	_ =	sdelay $0x3  }
0x73: {  	v14 =	vperm.xlane v14, v3  }
0x74: {  	v52 =	vor.u32 v5, v15;
	[tilespmem:v16+s18+$0x0] =	vst.idx.msk vm14, v13  }
0x75: {  	v12 =	vadd.s32 v12, v14;
	[tilespmem:v16+s19+$0x0] =	vst.idx.msk vm14, v52  }
0x76: {  	[tilespmem:$0x2E80] =	vst v12;
	v14 =	vld [tilespmem:$0x2E00]  }
0x77: {  	v13 =	vld [tilespmem:s25+$0xFFFFFFE0];
	_ =	sdelay $0x4  }
0x78: {  	vm4 =	vge.f32 v13, v14  }
0x79: {  	v14 =	vsel vm4, $0x1, v0  }
0x7a: {  	(xrf0) =	vadd.scan.msk.s32 $0xffff, v14;
	_ =	sdelay $0x5  }
0x7b: {  	v14, _, _ =	vpop (xrf0)  }
0x7c: {  	v53 =	vadd.s32 v14, v12  }
0x7d: {  	v16 =	vadd.s32 $0xFFFFFFFF, v53  }
0x7e: {  	vm5 =	vlt.s32 v16, $0x7F  }
0x7f: {  	v16 =	vnsel vm5, $0x7F, v16;
	_ =	sdelay $0x3  }
0x80: {  	v14 =	vperm.xlane v14, v3  }
0x81: {  	v54 =	vor.u32 v6, v15;
	[tilespmem:v16+s18+$0x0] =	vst.idx.msk vm4, v13  }
0x82: {  	v12 =	vadd.s32 v12, v14;
	[tilespmem:v16+s19+$0x0] =	vst.idx.msk vm4, v54  }
0x83: {  	[tilespmem:$0x2E80] =	vst v12;
	v14 =	vld [tilespmem:$0x2E00]  }
0x84: {  	v13 =	vld [tilespmem:s25+$0xFFFFFFF0];
	_ =	sdelay $0x4  }
0x85: {  	vm6 =	vge.f32 v13, v14  }
0x86: {  	v14 =	vsel vm6, $0x1, v0  }
0x87: {  	(xrf0) =	vadd.scan.msk.s32 $0xffff, v14;
	_ =	sdelay $0x5  }
0x88: {  	v14, _, _ =	vpop (xrf0)  }
0x89: {  	v55 =	vadd.s32 v14, v12  }
0x8a: {  	v16 =	vadd.s32 $0xFFFFFFFF, v55  }
0x8b: {  	vm7 =	vlt.s32 v16, $0x7F  }
0x8c: {  	v16 =	vnsel vm7, $0x7F, v16;
	_ =	sdelay $0x3  }
0x8d: {  	v14 =	vperm.xlane v14, v3  }
0x8e: {  	v56 =	vor.u32 v7, v15;
	[tilespmem:v16+s18+$0x0] =	vst.idx.msk vm6, v13  }
0x8f: {  	v12 =	vadd.s32 v12, v14;
	[tilespmem:v16+s19+$0x0] =	vst.idx.msk vm6, v56  }
0x90: {  	[tilespmem:$0x2E80] =	vst v12;
	v14 =	vld [tilespmem:$0x2E00]  }
0x91: {  	v13 =	vld [tilespmem:s25+$0x0];
	_ =	sdelay $0x4  }
0x92: {  	vm8 =	vge.f32 v13, v14  }
0x93: {  	v14 =	vsel vm8, $0x1, v0  }
0x94: {  	(xrf0) =	vadd.scan.msk.s32 $0xffff, v14;
	_ =	sdelay $0x5  }
0x95: {  	v14, _, _ =	vpop (xrf0)  }
0x96: {  	v57 =	vadd.s32 v14, v12  }
0x97: {  	v16 =	vadd.s32 $0xFFFFFFFF, v57  }
0x98: {  	vm9 =	vlt.s32 v16, $0x7F  }
0x99: {  	v16 =	vnsel vm9, $0x7F, v16;
	_ =	sdelay $0x3  }
0x9a: {  	v14 =	vperm.xlane v14, v3  }
0x9b: {  	v58 =	vor.u32 v8, v15;
	[tilespmem:v16+s18+$0x0] =	vst.idx.msk vm8, v13  }
0x9c: {  	v12 =	vadd.s32 v12, v14;
	[tilespmem:v16+s19+$0x0] =	vst.idx.msk vm8, v58  }
0x9d: {  	[tilespmem:$0x2E80] =	vst v12;
	v14 =	vld [tilespmem:$0x2E00]  }
0x9e: {  	v13 =	vld [tilespmem:s25+$0x10];
	_ =	sdelay $0x4  }
0x9f: {  	vm10 =	vge.f32 v13, v14  }
0xa0: {  	v14 =	vsel vm10, $0x1, v0  }
0xa1: {  	(xrf0) =	vadd.scan.msk.s32 $0xffff, v14;
	_ =	sdelay $0x5  }
0xa2: {  	v14, _, _ =	vpop (xrf0)  }
0xa3: {  	v59 =	vadd.s32 v14, v12  }
0xa4: {  	v16 =	vadd.s32 $0xFFFFFFFF, v59  }
0xa5: {  	vm11 =	vlt.s32 v16, $0x7F  }
0xa6: {  	v16 =	vnsel vm11, $0x7F, v16;
	_ =	sdelay $0x3  }
0xa7: {  	v14 =	vperm.xlane v14, v3  }
0xa8: {  	v60 =	vor.u32 v9, v15;
	[tilespmem:v16+s18+$0x0] =	vst.idx.msk vm10, v13  }
0xa9: {  	v12 =	vadd.s32 v12, v14;
	[tilespmem:v16+s19+$0x0] =	vst.idx.msk vm10, v60  }
0xaa: {  	[tilespmem:$0x2E80] =	vst v12;
	v14 =	vld [tilespmem:$0x2E00]  }
0xab: {  	v13 =	vld [tilespmem:s25+$0x20];
	_ =	sdelay $0x4  }
0xac: {  	vm12 =	vge.f32 v13, v14  }
0xad: {  	v14 =	vsel vm12, $0x1, v0  }
0xae: {  	(xrf0) =	vadd.scan.msk.s32 $0xffff, v14;
	_ =	sdelay $0x5  }
0xaf: {  	v14, _, _ =	vpop (xrf0)  }
0xb0: {  	v61 =	vadd.s32 v14, v12  }
0xb1: {  	v16 =	vadd.s32 $0xFFFFFFFF, v61  }
0xb2: {  	vm13 =	vlt.s32 v16, $0x7F  }
0xb3: {  	v16 =	vnsel vm13, $0x7F, v16;
	_ =	sdelay $0x3  }
0xb4: {  	v14 =	vperm.xlane v14, v3  }
0xb5: {  	v62 =	vor.u32 v10, v15;
	[tilespmem:v16+s18+$0x0] =	vst.idx.msk vm12, v13  }
0xb6: {  	v12 =	vadd.s32 v12, v14;
	[tilespmem:v16+s19+$0x0] =	vst.idx.msk vm12, v62  }
0xb7: {  	[tilespmem:$0x2E80] =	vst v12;
	v14 =	vld [tilespmem:$0x2E00]  }
0xb8: {  	v13 =	vld [tilespmem:s25+$0x30];
	_ =	sdelay $0x4  }
0xb9: {  	vm14 =	vge.f32 v13, v14  }
0xba: {  	v14 =	vsel vm14, $0x1, v0  }
0xbb: {  	(xrf0) =	vadd.scan.msk.s32 $0xffff, v14;
	_ =	sdelay $0x5  }
0xbc: {  	v14, _, _ =	vpop (xrf0)  }
0xbd: {  	v63 =	vadd.s32 v14, v12  }
0xbe: {  	v16 =	vadd.s32 $0xFFFFFFFF, v63  }
0xbf: {  	vm15 =	vlt.s32 v16, $0x7F  }
0xc0: {  	v16 =	vnsel vm15, $0x7F, v16;
	_ =	sdelay $0x1  }
0xc1: {  	p0 =	sne.s32 s24, $0x13C  }
.Ltmp1:
0xc2: {  	_ = 	snop;
	(pc) =	sbr.rel @p0 .LBB2_5-.Ltmp1, $4  }
0xc3: {  	v14 =	vperm.xlane v14, v3  }
0xc4: {  	v15 =	vor.u32 v11, v15;
	[tilespmem:v16+s18+$0x0] =	vst.idx.msk vm14, v13  }
0xc5: {  	v12 =	vadd.s32 v12, v14;
	[tilespmem:v16+s19+$0x0] =	vst.idx.msk vm14, v15  }
0xc6: {  	s24 =	sadd.s32 $0x4, s24;
	s25 =	sadd.s32 $0x80, s25;
	[tilespmem:$0x2E80] =	vst v12  }
0xc7: {  	s22 =	sshll.u32 s22, $0xA  }
0xc8: {  	s22 =	sor.u32 s23, s22  }
0xc9: {  	s22 =	sshrl.u32 s22, $0x3  }
0xca: {  	s31 =	sadd.s32 s6, s22  }
0xcb: {  	[hbm4b:s31+s2] =	stream.linear.scatter [tilespmem:s18], [sflag:$0x2], $0x80, $0x38;
	[tilespmem:$0x2F80] =	vst v63  }
0xcc: {  	s21 =	sadd.s32 $0x1, s21;
	_ =	swait.ge [sflag:s10], $0x80  }
0xcd: {  	p0 =	sne.s32 s21, $0x80;
	[sflag:s10] =	ssyncset.done $0x0  }
.Ltmp2:
0xce: {  	s22 =	sadd.s32 s7, s22;
	[sflag:s10] =	ssyncadd.s32 $0xFFFFFF80;
	(pc) =	sbr.rel @p0 .LBB2_2-.Ltmp2, $4  }
0xcf: {  	[hbm4b:s22+s2] =	stream.linear.scatter [tilespmem:s19], [sflag:$0x2], $0x80, $0x38;
	[tilespmem:$0x2F80] =	vst v63  }
0xd0: {  	_ =	swait.ge [sflag:s10], $0x80  }
0xd1: {  	[sflag:s10] =	ssyncset.done $0x0  }
0xd2: {  	[sflag:s10] =	ssyncadd.s32 $0xFFFFFF80  }
0xd3: {  	s20 =	sadd.s32 $0x1, s20  }
0xd4: {  	p0 =	sne.s32 s20, s9  }
.Ltmp3:
0xd5: {  	_ = 	snop;
	(pc) =	sbr.rel @p0 .LBB2_1-.Ltmp3, $1  }
0xd6: {  	_ =	sdelay $0x3  }
0xd7: {  	_ =	sfence.sel $0x180000  }
0xd8: {  	[bflag:$0x0] =	sbarrier.arrive $0xFFFF  }
0xd9: {  	p0 =	sne.s32 s1, $0x0;
	_ =	strace $0x9000004A  }
0xda: {  	s0 =	sadd.s32 @!p0 $0x100000, s0;
	[bflag:$0x2] =	sbarrier.arrive $0xFFFF  }
0xdb: {  	[sflag:s0] =	ssyncadd.tile.s32 @!p0 $0x1;
	_ =	shalt  }
.Lfunc_end2:
_tile_overlayer_lowered:
.L_overlay_start_2:
0xdc: {  	(tag) =	ssettag $0x2  }
0xdd: {  	s0 =	rddreg [dreg:$0x0];
	s2 =	stileid.u32  }
0xde: {  	s1 =	rddreg [dreg:$0x1];
	p0 =	sne.s32 s2, $0x0  }
0xdf: {  	s3 =	rddreg [dreg:$0x2];
	[bflag:$0x3] =	sbarrier.arrive $0xFFFF;
	s2 =	simm.s32 @!p0 $0x1C02  }
0xe0: {  	[timem:s3], [sflag:s2] =	dma.local @!p0 [hbm:s0], s1  }
0xe1: {  	s0 =	simm.s32 @!p0 $0x2  }
0xe2: {  	_ =	swait.ge @!p0 [sflag:s0], s1  }
0xe3: {  	s1 =	ssub.s32 @!p0 $0x0, s1;
	[sflag:s0] =	ssyncset.done @!p0 $0x0  }
0xe4: {  	[sflag:s0] =	ssyncadd.s32 @!p0 s1  }
0xe5: {  	[bflag:$0x3] =	sbarrier.arrive $0xFFFF  }
0xe6: {  	_ =	shalt  }

// kernel: sparse-core-data-format-call.cloned.1.call-start
scs
called_computation_lowered:
.L_overlay_start_0:
0x0: {  	s1 =	sld [smem:$0x3FD9]  }
0x1: {  	s2 =	sld [smem:$0x3FFE];
	_ =	sdelay $0x1  }
0x2: {  	s3 =	srdreg.scid  }
0x3: {  	s0 =	sand.u32 $0x1, s3  }
0x4: {  	s17 =	sshll.u32 s0, $0xA;
	s1 =	sadd.s32 s2, s1  }
0x5: {  	s1 =	sadd.s32 s1, s17  }
0x6: {  	[smem:$0x3FC6] =	sst s1  }
0x7: {  	_ = 	snop  }
0x8: {  	(tm) =	ssettm $0x1  }
0x9: {  	s18 =	sld [smem:$0x3FFB];
	_ =	sdelay $0x3  }
0xa: {  	_ =	strace s18  }
0xb: {  	s1 =	sld [smem:$0x3FFC];
	_ =	sdelay $0x3  }
0xc: {  	_ =	strace s1  }
0xd: {  	s1 =	sld [smem:$0x3FFD];
	_ =	sdelay $0x3  }
0xe: {  	_ =	strace s1  }
0xf: {  	_ =	strace $0x8FFFFFFF  }
0x10: {  	s19 =	sld [smem:$0x3FDB];
	_ =	sdelay $0x1  }
0x11: {  	s20 =	simm.s32 $_scs_section_size  }
0x12: {  	s4 =	simm.s32 $_size__tile_overlayer_lowered;
	s5 =	simm.s32 $_tile_overlayer_lowered  }
0x13: {  	s23 =	simm.s32 $0x1BFF;
	s22 =	sshll.u32 s5, $0x1;
	s1 =	sadd.s32 s20, s19  }
0x14: {  	s6 =	simm.s32 $0x0;
	s21 =	sshll.u32 s4, $0x1;
	s4 =	sadd.s32 s22, s1  }
0x15: {  	[timem:s6], [sflag:s23] =	dma.local [hbm:s4], s21  }
0x16: {  	_ =	swait.ge [sflag:s23], s21  }
0x17: {  	s2 =	ssub.s32 $0x0, s21;
	[sflag:s23] =	ssyncset.done $0x0  }
0x18: {  	[sflag:s23] =	ssyncadd.s32 s2;
	_ =	sdelay $0x1  }
0x19: {  	s24 =	simm.s32 $0x1B8B  }
0x1a: {  	_ =	swait.ge [sflag:s24], $0x1  }
0x1b: {  	[sflag:s24] =	ssyncset.done $0x0  }
0x1c: {  	s26 =	simm.s32 $0x1B8E;
	s25 =	sld [smem:$0x3FFE];
	[sflag:s24] =	ssyncadd.s32 $0xFFFFFFFF  }
0x1d: {  	s27 =	simm.s32 $execute0_lowered;
	[smem:$0x3FD2] =	sst s26  }
0x1e: {  	s4 =	sshll.u32 s27, $0x1;
	_ =	strace $0x80000046;
	[dreg:$0x1] =	wrdreg $0xFFFFFFFF  }
0x1f: {  	s28 =	simm.s32 $_size_execute0_lowered;
	s1 =	sadd.s32 s1, s4;
	[dreg:$0x0] =	wrdreg $0x0  }
0x20: {  	s4 =	sshll.u32 s28, $0x1;
	[dreg:$0x2] =	wrdreg s1  }
0x21: {  	[dreg:$0x3] =	wrdreg s4  }
0x22: {  	[dreg:$0x4] =	wrdreg $0xC0  }
0x23: {  	_ =	task [dreg:s6], $0x5FFFF  }
0x24: {  	[dreg:$0x1] =	wrdreg $0xFFFFFFFF  }
0x25: {  	[dreg:$0x0] =	wrdreg $0x60  }
0x26: {  	[dreg:$0x2] =	wrdreg s25  }
0x27: {  	[dreg:$0x3] =	wrdreg $0x9  }
0x28: {  	_ =	task.clear_ibuf [dreg:s6], $0x4FFFF;
	_ =	strace $0x90000046  }
0x29: {  	s29 =	simm.s32 $0x9;
	_ =	strace $0x80000048  }
0x2a: {  	_ =	swait.ge [sflag:s29], $0x1  }
0x2b: {  	[sflag:s29] =	ssyncadd.s32 $0xFFFFFFFF  }
0x2c: {  	_ =	strace $0x90000048  }
0x2d: {  	_ =	sfence  }
0x2e: {  	s30 =	sld [smem:$0x0];
	_ =	sdelay $0x2  }
0x2f: {  	s31 =	sshll.u32 s3, $0xD;
	s3 =	sshrl.u32 s3, $0x2  }
0x30: {  	s2 =	sand.u32 $0x4000, s31;
	s1 =	sadd.s32 s3, s30  }
0x31: {  	s0 =	sor.u32 s2, s0;
	s1 =	sshll.u32 s1, $0x11  }
0x32: {  	s0 =	sor.u32 s1, s0  }
0x33: {  	s0 =	sadd.s32 $0x8F2B, s0  }
0x34: {  	[sflag:s0] =	ssyncadd.remote.s32 $0x1  }
0x35: {  	_ =	sfence.sel $0xFFFF  }
0x36: {  	[dreg:$0x0] =	wrdreg $0xFFFFFFFF;
	(pc) =	sbr.abs _section_cstart, $3  }
0x37: {  	[dreg:$0x1] =	wrdreg $0xFFFFFFFF  }
0x38: {  	_ =	task.clear_ibuf [dreg:s6], $0x2FFFF;
	_ =	strace $0x9FFFFFFF  }
0x39: {  	(tm) =	ssettm $0x7FFFFFFF  }
tec
execute0_lowered:
.L_overlay_start_1:
0x0: {  	(tag) =	ssettag $0x1  }
0x1: {  	s1 =	rddreg [dreg:$0x0]  }
0x2: {  	s0 =	rddreg [dreg:$0x1]  }
0x3: {  	_ =	strace $0x80000047;
	s4 =	srdreg.scid;
	s6 =	simm.s32 $0x2  }
0x4: {  	s11 =	simm.s32 $0x0;
	p0 =	por $0x0, $0x0;
	s7 =	simm.s32 $0x18800  }
.Ltmp0:
0x5: {  	s12 =	simm.s32 $0x0;
	s9 =	simm.s32 $0x0;
	(pc) =	sbr.rel .LBB1_1-.Ltmp0, $4  }
0x6: {  	s2 =	sadd.s32 $0xC41200, s1;
	s3 =	sadd.s32 $0x3D41200, s1;
	s5 =	sshll.u32 s4, $0x4  }
0x7: {  	s1 =	stileid.u32;
	s4 =	simm.s32 $0x1;
	s5 =	sand.u32 $0x10, s5  }
0x8: {  	s8 =	simm.s32 $0x0;
	[sflag:s4] =	ssyncpa.u1 $0x0;
	s5 =	sor.u32 s1, s5  }
0x9: {  	[sflag:s6] =	ssyncpa.u1 $0x0;
	s6 =	simm.s32 $0x800;
	s10 =	smov.u32 s5  }
.LBB1_7:
0xa: {  	s13 =	sadd.s32 $0x10, s9  }
0xb: {  	s11 =	sadd.s32 $0x20, s10;
	s15 =	smov.u32 s10;
	p2 =	sgt.s32 s13, $0x30F  }
0xc: {  	p1 =	slt.u32 s8, $0x2;
	s15 =	smov.u32 @p2 s11  }
0xd: {  	s8 =	sadd.s32 $0x1, s8;
	s13 =	simm.s32 @p2 $0x0;
	p2 =	sgt.s32 s15, $0x1FF  }
0xe: {  	s15 =	smov.u32 @p2 s5;
	p2 =	sne.s32 s8, $0x312  }
.Ltmp1:
0xf: {  	_ = 	snop;
	(pc) =	sbr.rel @!p2 .LBB1_8-.Ltmp1, $4  }
0x10: {  	s14 =	simm.s32 @!p1 $0x2  }
0x11: {  	s12 =	smov.u32 s10;
	_ =	swait.ge @!p1 [sflag:s14], $0x4000  }
0x12: {  	p0 =	por !p0, !p0;
	s11 =	smov.u32 s9;
	[sflag:s14] =	ssyncset.done @!p1 $0x0  }
0x13: {  	s9 =	smov.u32 s13;
	[sflag:s14] =	ssyncadd.s32 @!p1 $0xFFFFC000;
	s10 =	smov.u32 s15  }
.LBB1_1:
0x14: {  	p1 =	sgt.u32 s8, $0x30F  }
0x15: {  	s13 =	smul.u32 @!p1 $0x18800, s10  }
0x16: {  	s14 =	sxor.u32 @!p1 $0xFFFFFFFF, s8  }
0x17: {  	s15 =	sshll.u32 @!p1 s9, $0x7;
	s14 =	sshll.u32 @!p1 s14, $0xE;
	s13 =	sadd.s32 @!p1 s2, s13  }
0x18: {  	s14 =	sand.u32 @!p1 $0x4000, s14;
	s13 =	sadd.s32 @!p1 s15, s13;
	s15 =	simm.s32 @!p1 $0x0  }
0x19: {  	[tilespmem:s14], [sflag:$0x1] =	stream.linear.gather @!p1 [hbm4b:s13+s15], $0x4000, $0x38;
	[tilespmem:$0x10000] =	vst v63  }
0x1a: {  	p1 =	seq.s32 s8, $0x0  }
0x1b: {  	p2 =	seq.s32 @!p1 s8, $0x311  }
0x1c: {  	p1 =	por p1, p2  }
.Ltmp2:
0x1d: {  	_ = 	snop;
	(pc) =	sbr.rel @p1 .LBB1_7-.Ltmp2, $1  }
0x1e: {  	_ =	sdelay $0x3  }
0x1f: {  	s13 =	simm.s32 $0x1;
	_ =	swait.ge [sflag:s4], $0x4000;
	s16 =	sshll.u32 s8, $0xE  }
0x20: {  	s13 =	simm.s32 @!p0 $0x0;
	[sflag:s4] =	ssyncset.done $0x0;
	s31 =	sand.u32 $0x4000, s16  }
0x21: {  	s16 =	simm.s32 $0x0;
	s13 =	sshll.u32 s13, $0xE;
	[sflag:s4] =	ssyncadd.s32 $0xFFFFC000  }
0x22: {  	s14 =	sor.u32 $0x8040, s13;
	s15 =	sor.u32 $0x40, s13;
	s13 =	sor.u32 $0x8000, s31  }
.LBB1_3:
0x23: {  	v0 =	vmov s15;
	_ =	sdelay $0x3  }
0x24: {  	s18 =	simm.s32 $0x0  }
0x25: {  	v6 =	vld.idx.msk [tilespmem:v0+s18+$0x30 ss:$0x1], $0xffff  }
0x26: {  	v7 =	vld.idx.msk [tilespmem:v0+s18+$0xFFFFFFC0 ss:$0x1], $0xffff  }
0x27: {  	v5 =	vld.idx.msk [tilespmem:v0+s18+$0xFFFFFFD0 ss:$0x1], $0xffff  }
0x28: {  	v4 =	vld.idx.msk [tilespmem:v0+s18+$0xFFFFFFE0 ss:$0x1], $0xffff  }
0x29: {  	v3 =	vld.idx.msk [tilespmem:v0+s18+$0xFFFFFFF0 ss:$0x1], $0xffff  }
0x2a: {  	v1 =	vld.idx.msk [tilespmem:v0+s18+$0x0 ss:$0x1], $0xffff  }
0x2b: {  	v2 =	vld.idx.msk [tilespmem:v0+s18+$0x10 ss:$0x1], $0xffff;
	[tilespmem:s14+$0x30] =	vst v6  }
0x2c: {  	s17 =	simm.s32 $0x80;
	s19 =	simm.s32 $0x400;
	[tilespmem:s14+$0xFFFFFFC0] =	vst v7;
	v6 =	vld.idx.msk [tilespmem:v0+s18+$0x20 ss:$0x1], $0xffff;
	s18 =	smov.u32 s14  }
.LBB1_4:
0x2d: {  	p1 =	sne.s32 s19, $0xE00;
	v7 =	vld.idx.msk [tilespmem:v0+s17+$0x30 ss:$0x1], $0xffff;
	[tilespmem:s18+$0xFFFFFFD0] =	vst v5  }
0x2e: {  	v8 =	vld.idx.msk [tilespmem:v0+s17+$0xFFFFFFC0 ss:$0x1], $0xffff;
	[tilespmem:s18+$0xFFFFFFE0] =	vst v4  }
0x2f: {  	v5 =	vld.idx.msk [tilespmem:v0+s17+$0xFFFFFFD0 ss:$0x1], $0xffff;
	[tilespmem:s18+$0xFFFFFFF0] =	vst v3  }
.Ltmp3:
0x30: {  	v4 =	vld.idx.msk [tilespmem:v0+s17+$0xFFFFFFE0 ss:$0x1], $0xffff;
	[tilespmem:s18+$0x0] =	vst v1;
	(pc) =	sbr.rel @p1 .LBB1_4-.Ltmp3, $4  }
0x31: {  	v3 =	vld.idx.msk [tilespmem:v0+s17+$0xFFFFFFF0 ss:$0x1], $0xffff;
	[tilespmem:s18+$0x10] =	vst v2  }
0x32: {  	v1 =	vld.idx.msk [tilespmem:v0+s17+$0x0 ss:$0x1], $0xffff;
	[tilespmem:s18+$0x20] =	vst v6;
	s18 =	sadd.s32 $0x800, s18  }
0x33: {  	v2 =	vld.idx.msk [tilespmem:v0+s17+$0x10 ss:$0x1], $0xffff;
	[tilespmem:s18+$0x30] =	vst v7  }
0x34: {  	[tilespmem:s18+$0xFFFFFFC0] =	vst v8;
	v6 =	vld.idx.msk [tilespmem:v0+s17+$0x20 ss:$0x1], $0xffff;
	s17 =	sshra.s32 s19, $0x2;
	s19 =	sadd.s32 $0x200, s19  }
0x35: {  	_ =	sdelay $0x2  }
0x36: {  	[tilespmem:s18+$0xFFFFFFD0] =	vst v5  }
0x37: {  	v56 =	vld.idx.msk [tilespmem:v0+s17+$0x30 ss:$0x1], $0xffff;
	[tilespmem:s18+$0xFFFFFFE0] =	vst v4  }
0x38: {  	v57 =	vld.idx.msk [tilespmem:v0+s17+$0xFFFFFFC0 ss:$0x1], $0xffff;
	[tilespmem:s18+$0xFFFFFFF0] =	vst v3  }
0x39: {  	v58 =	vld.idx.msk [tilespmem:v0+s17+$0xFFFFFFD0 ss:$0x1], $0xffff;
	[tilespmem:s18+$0x0] =	vst v1  }
0x3a: {  	v59 =	vld.idx.msk [tilespmem:v0+s17+$0xFFFFFFE0 ss:$0x1], $0xffff;
	[tilespmem:s18+$0x10] =	vst v2  }
0x3b: {  	v60 =	vld.idx.msk [tilespmem:v0+s17+$0xFFFFFFF0 ss:$0x1], $0xffff;
	s31 =	sadd.s32 $0x800, s18;
	[tilespmem:s18+$0x20] =	vst v6  }
0x3c: {  	v61 =	vld.idx.msk [tilespmem:v0+s17+$0x0 ss:$0x1], $0xffff;
	[tilespmem:s31+$0x30] =	vst v56  }
0x3d: {  	v62 =	vld.idx.msk [tilespmem:v0+s17+$0x10 ss:$0x1], $0xffff;
	s16 =	sadd.s32 $0x1, s16;
	[tilespmem:s31+$0xFFFFFFC0] =	vst v57  }
0x3e: {  	v63 =	vld.idx.msk [tilespmem:v0+s17+$0x20 ss:$0x1], $0xffff;
	p1 =	sne.s32 s16, $0x10;
	[tilespmem:s31+$0xFFFFFFD0] =	vst v58  }
.Ltmp4:
0x3f: {  	[tilespmem:s31+$0xFFFFFFE0] =	vst v59;
	(pc) =	sbr.rel @p1 .LBB1_3-.Ltmp4, $4  }
0x40: {  	[tilespmem:s31+$0xFFFFFFF0] =	vst v60  }
0x41: {  	[tilespmem:s31+$0x0] =	vst v61  }
0x42: {  	[tilespmem:s31+$0x10] =	vst v62  }
0x43: {  	s14 =	sadd.s32 $0x80, s14;
	s15 =	sadd.s32 $0x400, s15;
	[tilespmem:s31+$0x20] =	vst v63  }
0x44: {  	s11 =	sand.u32 $0x1FFFFFF, s11  }
0x45: {  	s14 =	smulhi.u32 $0x14E5E0B, s11;
	_ =	sdelay $0x1  }
0x46: {  	s12 =	smul.u32 $0x18800, s12;
	s14 =	sshrl.u32 s14, $0x2  }
0x47: {  	s14 =	smul.u32 $0x310, s14  }
.Ltmp5:
0x48: {  	_ = 	snop;
	(pc) =	sbr.rel .LBB1_7-.Ltmp5, $4  }
0x49: {  	s11 =	ssub.s32 s11, s14  }
0x4a: {  	s12 =	sadd.s32 s3, s12;
	s11 =	sshll.u32 s11, $0x4  }
0x4b: {  	s11 =	sadd.s32 s11, s12  }
0x4c: {  	[hbm4b:s11+s6] =	stream.strided.scatter [tilespmem:s13], [sflag:$0x2], $0x4000, s7, s6, $0x38;
	[tilespmem:$0x10000] =	vst v63  }
.LBB1_8:
0x4d: {  	_ =	sfence.sel $0x180000  }
0x4e: {  	s2 =	simm.s32 $0x1;
	[bflag:$0x0] =	sbarrier.arrive $0xFFFF  }
0x4f: {  	s31 =	simm.s32 $0x2;
	[sflag:s2] =	ssyncpa.u1 $0x1  }
0x50: {  	[sflag:s31] =	ssyncpa.u1 $0x1  }
0x51: {  	p0 =	sne.s32 s1, $0x0;
	_ =	strace $0x90000047  }
0x52: {  	s0 =	sadd.s32 @!p0 $0x100000, s0;
	[bflag:$0x2] =	sbarrier.arrive $0xFFFF  }
0x53: {  	[sflag:s0] =	ssyncadd.tile.s32 @!p0 $0x1;
	_ =	shalt  }
.Lfunc_end1:
_tile_overlayer_lowered:
.L_overlay_start_2:
0x54: {  	(tag) =	ssettag $0x2  }
0x55: {  	s0 =	rddreg [dreg:$0x0];
	s2 =	stileid.u32  }
0x56: {  	s1 =	rddreg [dreg:$0x1];
	p0 =	sne.s32 s2, $0x0  }
0x57: {  	s3 =	rddreg [dreg:$0x2];
	[bflag:$0x3] =	sbarrier.arrive $0xFFFF;
	s2 =	simm.s32 @!p0 $0x1C01  }
0x58: {  	[timem:s3], [sflag:s2] =	dma.local @!p0 [hbm:s0], s1  }
0x59: {  	s0 =	simm.s32 @!p0 $0x1  }
0x5a: {  	_ =	swait.ge @!p0 [sflag:s0], s1  }
0x5b: {  	s1 =	ssub.s32 @!p0 $0x0, s1;
	[sflag:s0] =	ssyncset.done @!p0 $0x0  }
0x5c: {  	[sflag:s0] =	ssyncadd.s32 @!p0 s1  }
0x5d: {  	[bflag:$0x3] =	sbarrier.arrive $0xFFFF  }
0x5e: {  	_ =	shalt  }

</sc_bundles>
